<compile_context>
chip_gen: v7x
topology: tpu7x:2x2x1
jax: 0.10.2.dev20260603
libtpu: 0.0.44.dev20260713+nightly
codegen_flags: <defaults>
</compile_context>

<pallas_src>
import functools

import numpy as np
import jax
import jax.numpy as jnp
from jax import lax
from jax.experimental import pallas as pl
from jax.experimental.pallas import tpu as pltpu
from jax.experimental.pallas import tpu_sc as plsc

_STRIDES = [8, 16, 32, 64, 128]
_LIMITS = [[-1, 64], [64, 128], [128, 256], [256, 512], [512, 999999]]
_LEVEL_HW = [(64, 64), (32, 32), (16, 16), (8, 8), (4, 4)]
_B, _M = 8, 64
_NLOC = sum(h * w for h, w in _LEVEL_HW)
_NLOCP = 5504
_NQ = 4
_QL = _NLOCP // _NQ
_NCHQ = 88
_LW = _NCHQ * 16
_NCHT = _NQ * _NCHQ
_BIG = np.float32(99999999.0)


def _pad_quarters(a, padval):
    a = a.reshape(_NQ, _QL)
    pad = np.full((_NQ, _LW - _QL), padval, np.float32)
    return np.concatenate([a, pad], axis=1).reshape(-1)


def _build_loc_tables():
    xs, ys, lo, hi, rad = [], [], [], [], []
    for (h, w), s, (llo, lhi) in zip(_LEVEL_HW, _STRIDES, _LIMITS):
        ix = np.arange(w, dtype=np.float32) * s + s // 2
        iy = np.arange(h, dtype=np.float32) * s + s // 2
        xs.append(np.tile(ix, h))
        ys.append(np.repeat(iy, w))
        lo.append(np.full(h * w, llo, np.float32))
        hi.append(np.full(h * w, lhi, np.float32))
        rad.append(np.full(h * w, s * 1.5, np.float32))
    pad = _NLOCP - _NLOC
    out = []
    for arrs, padval in zip((xs, ys, lo, hi, rad), (0.0, 0.0, 1e9, -1e9, 0.0)):
        a = np.concatenate(arrs)
        a = np.concatenate([a, np.full(pad, padval, np.float32)])
        out.append(_pad_quarters(a, padval))
    return out


_XS, _YS, _LO, _HI, _RAD = _build_loc_tables()

_TAB = np.stack([t.reshape(_NQ, _LW) for t in (_XS, _YS, _LO, _HI, _RAD)],
                axis=1).reshape(-1)


def _build_chunk_tables():
    xs2 = _XS.reshape(-1, 16)
    ys2 = _YS.reshape(-1, 16)
    xc = (xs2.min(axis=1) + xs2.max(axis=1)) * 0.5
    hsx = (xs2.max(axis=1) - xs2.min(axis=1)) * 0.5 + 0.5
    yc = (ys2.min(axis=1) + ys2.max(axis=1)) * 0.5
    hsy = (ys2.max(axis=1) - ys2.min(axis=1)) * 0.5 + 0.5
    rad = _RAD.reshape(-1, 16)[:, 0]
    lo = _LO.reshape(-1, 16)[:, 0]
    hi = _HI.reshape(-1, 16)[:, 0]
    f32 = lambda a: a.astype(np.float32)
    return tuple(map(f32, (xc, yc, hsx, hsy, rad, lo, hi)))


_XCC, _YCC, _HSXC, _HSYC, _RADC, _LOC, _HIC = _build_chunk_tables()
_POW32 = (np.uint32(1) << np.arange(32, dtype=np.uint32)).astype(np.uint32)


def _sc_body(tab_ref, gtb_ref, cls_ref, mw_ref,
             cls_out, cnt_out, reg_out,
             tab_v, gtb_v, clsr_v, boxf_v, clsb_v,
             mw_v, ocls_v, ocnt_v, orl_v, ort_v, orr_v, orb_v):
    cid = lax.axis_index("c")
    sid = lax.axis_index("s")
    wid = sid * 2 + cid
    b = wid // _NQ
    q = wid % _NQ

    pltpu.sync_copy(tab_ref.at[pl.ds(q * 5 * _LW, 5 * _LW)], tab_v)
    pltpu.sync_copy(gtb_ref.at[pl.ds(b * 4 * _M, 4 * _M)], gtb_v)
    pltpu.sync_copy(cls_ref.at[pl.ds(b * _M, _M)], clsr_v)
    pltpu.sync_copy(mw_ref.at[pl.ds((b * _NQ + q) * _LW, _LW)], mw_v)

    def build_boxf(gi, carry):
        v16 = gtb_v[pl.ds(gi * 16, 16)]
        mb0 = gi * 64
        for j in range(4):
            mb = mb0 + j * 16
            x0 = v16[4 * j]
            y1 = v16[4 * j + 1]
            x2 = v16[4 * j + 2]
            y3 = v16[4 * j + 3]
            boxf_v[pl.ds(mb, 16)] = jnp.full((16,), x0, jnp.float32)
            boxf_v[pl.ds(mb + _M * 16, 16)] = jnp.full((16,), y1,
                                                       jnp.float32)
            boxf_v[pl.ds(mb + 2 * _M * 16, 16)] = jnp.full((16,), x2,
                                                           jnp.float32)
            boxf_v[pl.ds(mb + 3 * _M * 16, 16)] = jnp.full((16,), y3,
                                                           jnp.float32)
            boxf_v[pl.ds(mb + 4 * _M * 16, 16)] = jnp.full(
                (16,), (x0 + x2) * 0.5, jnp.float32)
            boxf_v[pl.ds(mb + 5 * _M * 16, 16)] = jnp.full(
                (16,), (y1 + y3) * 0.5, jnp.float32)
        return carry

    def build_clsb(gi, carry):
        c16 = clsr_v[pl.ds(gi * 16, 16)]
        mb0 = gi * 256
        for j in range(16):
            clsb_v[pl.ds(mb0 + j * 16, 16)] = jnp.full((16,), c16[j],
                                                       jnp.int32)
        return carry

    lax.fori_loop(0, _M // 4, build_boxf, 0)
    lax.fori_loop(0, _M // 16, build_clsb, 0)

    big = jnp.full((16,), _BIG, jnp.float32)

    neg1 = jnp.full((16,), -1.0, jnp.float32)
    zero_i = jnp.zeros((16,), jnp.int32)

    def _rsqrt(s):
        bits = lax.bitcast_convert_type(s, jnp.int32)
        y0 = lax.bitcast_convert_type(jnp.int32(0x5F3759DF) - (bits >> 1),
                                      jnp.float32)
        for _ in range(2):
            y0 = y0 * (1.5 - 0.5 * s * y0 * y0)
        return y0

    def chunk(i, carry):
        s16 = pl.ds(i * 16, 16)
        w16 = mw_v[s16]
        m_a = w16[0]
        m_b = w16[1]

        @pl.when((m_a | m_b) == 0)
        def _():
            ocnt_v[s16] = neg1
            ocls_v[s16] = zero_i
            orl_v[s16] = neg1
            ort_v[s16] = neg1
            orr_v[s16] = neg1
            orb_v[s16] = neg1

        @pl.when((m_a | m_b) != 0)
        def _():
            xv = tab_v[pl.ds(i * 16, 16)]
            yv = tab_v[pl.ds(_LW + i * 16, 16)]
            lov = tab_v[pl.ds(2 * _LW + i * 16, 16)]
            hiv = tab_v[pl.ds(3 * _LW + i * 16, 16)]
            radv = tab_v[pl.ds(4 * _LW + i * 16, 16)]

            zero = jnp.zeros((16,), jnp.float32)
            state = (jnp.full((16,), 2e8, jnp.float32), zero, zero, zero,
                     zero, zero_i)

            def one_box(mb, st):
                best, sl, stt, sr, sb, scl = st
                x0 = boxf_v[pl.ds(mb, 16)]
                y1 = boxf_v[pl.ds(mb + _M * 16, 16)]
                x2 = boxf_v[pl.ds(mb + 2 * _M * 16, 16)]
                y3 = boxf_v[pl.ds(mb + 3 * _M * 16, 16)]
                cx = boxf_v[pl.ds(mb + 4 * _M * 16, 16)]
                cy = boxf_v[pl.ds(mb + 5 * _M * 16, 16)]
                cl = clsb_v[pl.ds(mb, 16)]
                l = xv - x0
                t = yv - y1
                r = x2 - xv
                bb = y3 - yv
                area = (l + r) * (t + bb)
                mn = jnp.minimum(jnp.minimum(l, t), jnp.minimum(r, bb))
                mx = jnp.maximum(jnp.maximum(l, t), jnp.maximum(r, bb))
                dm = jnp.maximum(jnp.abs(xv - cx), jnp.abs(yv - cy))
                mask = (mn > 0.0) & (mx > lov) & (mx <= hiv) & (dm < radv)
                am = jnp.where(mask, area, big)
                take = am < best
                best = jnp.where(take, am, best)
                sl = jnp.where(take, l, sl)
                stt = jnp.where(take, t, stt)
                sr = jnp.where(take, r, sr)
                sb = jnp.where(take, bb, sb)
                scl = jnp.where(take, cl, scl)
                return best, sl, stt, sr, sb, scl

            def popcount(m0):
                x = m0 - (lax.shift_right_logical(m0, 1) & 0x55555555)
                x = ((x & 0x33333333)
                     + (lax.shift_right_logical(x, 2) & 0x33333333))
                x = (x + lax.shift_right_logical(x, 4)) & 0x0F0F0F0F
                return lax.shift_right_logical(x * 0x01010101, 24)

            def body(k, carry2):
                ma, mb_ = carry2[0], carry2[1]
                use_a = ma != 0
                mcur = jnp.where(use_a, ma, mb_)
                low = mcur & (-mcur)
                fb = lax.bitcast_convert_type(
                    lax.convert_element_type(low, jnp.float32), jnp.int32)
                bi = ((fb >> 23) & 255) - 127
                moff = jnp.where(use_a, 0, _M // 2 * 16)
                st2 = one_box(bi * 16 + moff, carry2[2:])
                ma2 = jnp.where(use_a, ma ^ low, ma)
                mb2 = jnp.where(use_a, mb_, mb_ ^ low)
                return (ma2, mb2) + st2

            total = popcount(m_a) + popcount(m_b)
            res = lax.fori_loop(0, total, body, (m_a, m_b) + state)
            best, sl, stt, sr, sb, scl = res[2:]
            anyp = best < big
            lrmin = jnp.minimum(sl, sr)
            lrmax = jnp.maximum(sl, sr)
            tbmin = jnp.minimum(stt, sb)
            tbmax = jnp.maximum(stt, sb)
            num = lrmin * tbmin
            den = lrmax * tbmax + 1e-10
            sq = num * _rsqrt(num) * _rsqrt(den)
            ocnt_v[s16] = jnp.where(anyp, sq, neg1)
            ocls_v[s16] = jnp.where(anyp, scl, zero_i)
            orl_v[s16] = jnp.where(anyp, sl, neg1)
            ort_v[s16] = jnp.where(anyp, stt, neg1)
            orr_v[s16] = jnp.where(anyp, sr, neg1)
            orb_v[s16] = jnp.where(anyp, sb, neg1)

        return carry

    lax.fori_loop(0, _NCHQ, chunk, 0)

    obase = b * _NLOC + q * _QL
    rbase = b * 4 * _NLOC + q * _QL
    qtail = _NLOC - 3 * _QL

    def _emit(n):
        pltpu.sync_copy(ocls_v.at[pl.ds(0, n)], cls_out.at[pl.ds(obase, n)])
        pltpu.sync_copy(ocnt_v.at[pl.ds(0, n)], cnt_out.at[pl.ds(obase, n)])
        pltpu.sync_copy(orl_v.at[pl.ds(0, n)], reg_out.at[pl.ds(rbase, n)])
        pltpu.sync_copy(ort_v.at[pl.ds(0, n)],
                        reg_out.at[pl.ds(rbase + _NLOC, n)])
        pltpu.sync_copy(orr_v.at[pl.ds(0, n)],
                        reg_out.at[pl.ds(rbase + 2 * _NLOC, n)])
        pltpu.sync_copy(orb_v.at[pl.ds(0, n)],
                        reg_out.at[pl.ds(rbase + 3 * _NLOC, n)])

    @pl.when(q != _NQ - 1)
    def _():
        _emit(_QL)

    @pl.when(q == _NQ - 1)
    def _():
        _emit(qtail)


@functools.partial(
    pl.kernel,
    out_type=(
        jax.ShapeDtypeStruct((_B * _NLOC,), jnp.int32),
        jax.ShapeDtypeStruct((_B * _NLOC,), jnp.float32),
        jax.ShapeDtypeStruct((_B * 4 * _NLOC,), jnp.float32),
    ),
    mesh=plsc.VectorSubcoreMesh(core_axis_name="c", subcore_axis_name="s",
                                num_cores=2, num_subcores=16),
    scratch_types=(
        [
            pltpu.VMEM((5 * _LW,), jnp.float32),
            pltpu.VMEM((4 * _M,), jnp.float32),
            pltpu.VMEM((_M,), jnp.int32),
            pltpu.VMEM((6 * _M * 16,), jnp.float32),
            pltpu.VMEM((_M * 16,), jnp.int32),
            pltpu.VMEM((_LW,), jnp.int32),
            pltpu.VMEM((_LW,), jnp.int32),
        ]
        + [pltpu.VMEM((_LW,), jnp.float32) for _ in range(5)]
    ),
)
def _gen_targets_sc(tab, gtb, cls_i, mw,
                    cls_out, cnt_out, reg_out, *scratch):
    _sc_body(tab, gtb, cls_i, mw,
             cls_out, cnt_out, reg_out, *scratch)


def kernel(cls_logits_0, cls_logits_1, cls_logits_2, cls_logits_3,
           cls_logits_4, cnt_logits_0, cnt_logits_1, cnt_logits_2,
           cnt_logits_3, cnt_logits_4, reg_preds_0, reg_preds_1, reg_preds_2,
           reg_preds_3, reg_preds_4, gt_boxes, classes):
    x0 = gt_boxes[..., 0]
    y1 = gt_boxes[..., 1]
    x2 = gt_boxes[..., 2]
    y3 = gt_boxes[..., 3]
    cx = (x0 + x2) / 2
    cy = (y1 + y3) / 2
    hw = (x2 - x0) * 0.5
    hh = (y3 - y1) * 0.5
    xcc = jnp.asarray(_XCC)[None, :, None]
    ycc = jnp.asarray(_YCC)[None, :, None]
    hsx = jnp.asarray(_HSXC)[None, :, None]
    hsy = jnp.asarray(_HSYC)[None, :, None]
    radc = jnp.asarray(_RADC)[None, :, None]
    loc = jnp.asarray(_LOC)[None, :, None]
    hic = jnp.asarray(_HIC)[None, :, None]
    cxb = cx[:, None, :]
    cyb = cy[:, None, :]
    hwb = hw[:, None, :]
    hhb = hh[:, None, :]
    act = ((jnp.abs(cxb - xcc) < jnp.minimum(radc, hwb) + hsx)
           & (jnp.abs(cyb - ycc) < jnp.minimum(radc, hhb) + hsy))
    mxwh = jnp.maximum(hwb, hhb)
    act = act & (mxwh > loc - radc - 1.0) & (mxwh <= hic + 1.0)
    pow32 = jnp.asarray(_POW32)
    m_a = jnp.sum(jnp.where(act[..., :32], pow32, jnp.uint32(0)), axis=-1,
                  dtype=jnp.uint32)
    m_b = jnp.sum(jnp.where(act[..., 32:], pow32, jnp.uint32(0)), axis=-1,
                  dtype=jnp.uint32)
    words = lax.bitcast_convert_type(jnp.stack([m_a, m_b], axis=-1),
                                     jnp.int32)
    mw = jnp.concatenate(
        [words, jnp.zeros((_B, _NCHT, 14), jnp.int32)], axis=-1
    ).reshape(_B * _NQ * _LW)

    cls_flat, cnt_flat, reg_flat = _gen_targets_sc(
        jnp.asarray(_TAB),
        gt_boxes.reshape(_B * 4 * _M), classes.reshape(_B * _M), mw)

    cls_t = cls_flat.reshape(_B, _NLOC, 1)
    cnt_t = cnt_flat.reshape(_B, _NLOC, 1)
    reg_t = jnp.transpose(reg_flat.reshape(_B, 4, _NLOC), (0, 2, 1))
    return cls_t, cnt_t, reg_t

# --- scband reference (transcript-rebuilt; emitter-appended) ---
"""Pipeline reference for scband-gen-targets-5669356833377 (READ-ONLY COPY).

The authoritative reference and input builder live on the scoring server;
editing this copy changes nothing except your own understanding.
"""

import jax, jax.numpy as jnp
import numpy as np

STRIDES = [8, 16, 32, 64, 128]
LIMIT_RANGE = [[-1, 64], [64, 128], [128, 256], [256, 512], [512, 999999]]
LEVEL_HW = [(64, 64), (32, 32), (16, 16), (8, 8), (4, 4)]
B, M, C = 8, 64, 80


def coords_fmap2orig(h, w, stride):
    shifts_x = jnp.arange(0, w * stride, stride, dtype=jnp.float32)
    shifts_y = jnp.arange(0, h * stride, stride, dtype=jnp.float32)
    shift_y, shift_x = jnp.meshgrid(shifts_y, shifts_x, indexing='ij')
    coords = jnp.stack([shift_x.reshape(-1), shift_y.reshape(-1)], axis=-1) + stride // 2
    return coords


def gen_level_targets(cls_logits, cnt_logits, reg_preds, gt_boxes, classes, stride, limit_range, sample_radiu_ratio=1.5):
    batch_size = cls_logits.shape[0]
    h, w = cls_logits.shape[2], cls_logits.shape[3]
    m = gt_boxes.shape[1]
    coords = coords_fmap2orig(h, w, stride)
    h_mul_w = h * w
    x = coords[:, 0]
    y = coords[:, 1]
    l_off = x[None, :, None] - gt_boxes[..., 0][:, None, :]
    t_off = y[None, :, None] - gt_boxes[..., 1][:, None, :]
    r_off = gt_boxes[..., 2][:, None, :] - x[None, :, None]
    b_off = gt_boxes[..., 3][:, None, :] - y[None, :, None]
    ltrb_off = jnp.stack([l_off, t_off, r_off, b_off], axis=-1)
    areas = (ltrb_off[..., 0] + ltrb_off[..., 2]) * (ltrb_off[..., 1] + ltrb_off[..., 3])
    off_min = jnp.min(ltrb_off, axis=-1)
    off_max = jnp.max(ltrb_off, axis=-1)
    mask_in_gtboxes = off_min > 0
    mask_in_level = (off_max > limit_range[0]) & (off_max <= limit_range[1])
    radiu = stride * sample_radiu_ratio
    gt_center_x = (gt_boxes[..., 0] + gt_boxes[..., 2]) / 2
    gt_center_y = (gt_boxes[..., 1] + gt_boxes[..., 3]) / 2
    c_l_off = x[None, :, None] - gt_center_x[:, None, :]
    c_t_off = y[None, :, None] - gt_center_y[:, None, :]
    c_r_off = gt_center_x[:, None, :] - x[None, :, None]
    c_b_off = gt_center_y[:, None, :] - y[None, :, None]
    c_ltrb_off = jnp.stack([c_l_off, c_t_off, c_r_off, c_b_off], axis=-1)
    c_off_max = jnp.max(c_ltrb_off, axis=-1)
    mask_center = c_off_max < radiu
    mask_pos = mask_in_gtboxes & mask_in_level & mask_center
    areas_masked = jnp.where(mask_pos, areas, 99999999.0)
    areas_min_ind = jnp.argmin(areas_masked, axis=-1)
    idx4 = jnp.broadcast_to(areas_min_ind[:, :, None, None], (batch_size, h_mul_w, 1, 4))
    reg_targets = jnp.take_along_axis(ltrb_off, idx4, axis=2).squeeze(2)
    classes_b = jnp.broadcast_to(classes[:, None, :], (batch_size, h_mul_w, m))
    cls_targets = jnp.take_along_axis(classes_b, areas_min_ind[:, :, None], axis=2)
    left_right_min = jnp.minimum(reg_targets[..., 0], reg_targets[..., 2])
    left_right_max = jnp.maximum(reg_targets[..., 0], reg_targets[..., 2])
    top_bottom_min = jnp.minimum(reg_targets[..., 1], reg_targets[..., 3])
    top_bottom_max = jnp.maximum(reg_targets[..., 1], reg_targets[..., 3])
    ratio = left_right_min * top_bottom_min / (left_right_max * top_bottom_max + 1e-10)
    mask_pos_2 = jnp.sum(mask_pos.astype(jnp.int32), axis=-1) >= 1
    safe_ratio = jnp.where(mask_pos_2, jnp.maximum(ratio, 0.0), 1.0)
    cnt_targets = jnp.where(mask_pos_2, jnp.sqrt(safe_ratio), -1.0)[..., None]
    cls_targets = jnp.where(mask_pos_2[..., None], cls_targets, 0)
    reg_targets = jnp.where(mask_pos_2[..., None], reg_targets, -1.0)
    return cls_targets, cnt_targets, reg_targets


def setup_inputs(seed: int = 0):
    key = jax.random.key(seed)
    inp = {}
    for i, (h, w) in enumerate(LEVEL_HW):
        inp['cls_logits_%d' % i] = jax.random.normal(jax.random.fold_in(key, 3 * i), (B, C, h, w), dtype=jnp.float32)
        inp['cnt_logits_%d' % i] = jax.random.normal(jax.random.fold_in(key, 3 * i + 1), (B, 1, h, w), dtype=jnp.float32)
        inp['reg_preds_%d' % i] = jax.random.normal(jax.random.fold_in(key, 3 * i + 2), (B, 4, h, w), dtype=jnp.float32)
    kxy, kwh, kc = jax.random.split(jax.random.fold_in(key, 100), 3)
    xy = jax.random.uniform(kxy, (B, M, 2), dtype=jnp.float32) * 400.0
    wh = jax.random.uniform(kwh, (B, M, 2), dtype=jnp.float32) * 100.0 + 12.0
    inp['gt_boxes'] = jnp.concatenate([xy, jnp.minimum(xy + wh, 511.0)], axis=-1)
    inp['classes'] = jax.random.randint(kc, (B, M), 0, C, dtype=jnp.int32)
    return inp


def reference(cls_logits_0, cls_logits_1, cls_logits_2, cls_logits_3, cls_logits_4, cnt_logits_0, cnt_logits_1, cnt_logits_2, cnt_logits_3, cnt_logits_4, reg_preds_0, reg_preds_1, reg_preds_2, reg_preds_3, reg_preds_4, gt_boxes, classes):
    cls_logits = [cls_logits_0, cls_logits_1, cls_logits_2, cls_logits_3, cls_logits_4]
    cnt_logits = [cnt_logits_0, cnt_logits_1, cnt_logits_2, cnt_logits_3, cnt_logits_4]
    reg_preds = [reg_preds_0, reg_preds_1, reg_preds_2, reg_preds_3, reg_preds_4]
    cls_all, cnt_all, reg_all = [], [], []
    for level in range(len(STRIDES)):
        c, n, r = gen_level_targets(cls_logits[level], cnt_logits[level], reg_preds[level], gt_boxes, classes, STRIDES[level], LIMIT_RANGE[level])
        cls_all.append(c)
        cnt_all.append(n)
        reg_all.append(r)
    return (jnp.concatenate(cls_all, axis=1), jnp.concatenate(cnt_all, axis=1), jnp.concatenate(reg_all, axis=1))

if __name__ == "__main__":
    import jax
    _d = setup_inputs()
    print(jax.jit(kernel)(*tuple(_d.values())))

</pallas_src>

<mosaic_0001>
#map = affine_map<(d0, d1) -> (0)>
module attributes {stable_mosaic.version = 14 : i64} {
  func.func @_gen_targets_sc(%arg0: i32, %arg1: i32, %arg2: memref<28160xf32, #tpu.memory_space<hbm>>, %arg3: memref<2048xf32, #tpu.memory_space<hbm>>, %arg4: memref<512xi32, #tpu.memory_space<hbm>>, %arg5: memref<45056xi32, #tpu.memory_space<hbm>>, %arg6: memref<43648xi32, #tpu.memory_space<hbm>>, %arg7: memref<43648xf32, #tpu.memory_space<hbm>>, %arg8: memref<174592xf32, #tpu.memory_space<hbm>>, %arg9: memref<7040xf32, #tpu.memory_space<vmem>>, %arg10: memref<256xf32, #tpu.memory_space<vmem>>, %arg11: memref<64xi32, #tpu.memory_space<vmem>>, %arg12: memref<6144xf32, #tpu.memory_space<vmem>>, %arg13: memref<1024xi32, #tpu.memory_space<vmem>>, %arg14: memref<1408xi32, #tpu.memory_space<vmem>>, %arg15: memref<1408xi32, #tpu.memory_space<vmem>>, %arg16: memref<1408xf32, #tpu.memory_space<vmem>>, %arg17: memref<1408xf32, #tpu.memory_space<vmem>>, %arg18: memref<1408xf32, #tpu.memory_space<vmem>>, %arg19: memref<1408xf32, #tpu.memory_space<vmem>>, %arg20: memref<1408xf32, #tpu.memory_space<vmem>>) attributes {dimension_semantics = [#tpu.dimension_semantics<core_parallel>, #tpu.dimension_semantics<subcore_parallel>], iteration_bounds = array<i64: 2, 16>, scalar_prefetch = 0 : i64, scratch_operands = 12 : i64, tpu.core_type = #tpu.core_type<sc_vector_subcore>, window_params = [{transform_indices = #map}, {transform_indices = #map}, {transform_indices = #map}, {transform_indices = #map}, {transform_indices = #map}, {transform_indices = #map}, {transform_indices = #map}]} {
    %mul3A = arith.constant 2 : i32
    %mul3A_0 = arith.muli %arg1, %mul3A : i32
    %add3A = arith.addi %mul3A_0, %arg0 : i32
    %jit3A = arith.constant 4 : i32
    %div3A = arith.divsi %add3A, %jit3A : i32
    %sign3A = arith.constant 0 : i32
    %sign3A_1 = arith.cmpi sgt, %add3A, %sign3A : i32
    %sign3A_2 = arith.extui %sign3A_1 : i1 to i32
    %sign3A_3 = arith.constant 0 : i32
    %sign3A_4 = arith.cmpi slt, %add3A, %sign3A_3 : i32
    %sign3A_5 = arith.extui %sign3A_4 : i1 to i32
    %sign3A_6 = arith.subi %sign3A_2, %sign3A_5 : i32
    %sign3A_7 = arith.constant 0 : i32
    %sign3A_8 = arith.cmpi sgt, %jit3A, %sign3A_7 : i32
    %sign3A_9 = arith.extui %sign3A_8 : i1 to i32
    %sign3A_10 = arith.constant 0 : i32
    %sign3A_11 = arith.cmpi slt, %jit3A, %sign3A_10 : i32
    %sign3A_12 = arith.extui %sign3A_11 : i1 to i32
    %sign3A_13 = arith.subi %sign3A_9, %sign3A_12 : i32
    %ne3A = arith.cmpi ne, %sign3A_6, %sign3A_13 : i32
    %rem3A = arith.remsi %add3A, %jit3A : i32
    %ne3A_14 = arith.constant 0 : i32
    %ne3A_15 = arith.cmpi ne, %rem3A, %ne3A_14 : i32
    %and3A = arith.andi %ne3A, %ne3A_15 : i1
    %sub3A = arith.constant 1 : i32
    %sub3A_16 = arith.subi %div3A, %sub3A : i32
    %select_n3A = arith.select %and3A, %sub3A_16, %div3A : i32
    %jit3A_17 = arith.constant 4 : i32
    %eq3A = arith.constant 0 : i32
    %eq3A_18 = arith.cmpi eq, %jit3A_17, %eq3A : i32
    %jit3A_19 = arith.constant 1 : i32
    %select_n3A_20 = arith.select %eq3A_18, %jit3A_19, %jit3A_17 : i32
    %rem3A_21 = arith.remsi %add3A, %select_n3A_20 : i32
    %ne3A_22 = arith.constant 0 : i32
    %ne3A_23 = arith.cmpi ne, %rem3A_21, %ne3A_22 : i32
    %lt3A = arith.constant 0 : i32
    %lt3A_24 = arith.cmpi slt, %rem3A_21, %lt3A : i32
    %lt3A_25 = arith.constant 0 : i32
    %lt3A_26 = arith.cmpi slt, %select_n3A_20, %lt3A_25 : i32
    %ne3A_27 = arith.xori %lt3A_24, %lt3A_26 : i1
    %and3A_28 = arith.andi %ne3A_27, %ne3A_23 : i1
    %add3A_29 = arith.addi %rem3A_21, %select_n3A_20 : i32
    %select_n3A_30 = arith.select %and3A_28, %add3A_29, %rem3A_21 : i32
    %mul3A_31 = arith.constant 5 : i32
    %mul3A_32 = arith.muli %select_n3A_30, %mul3A_31 : i32
    %mul3A_33 = arith.constant 1408 : i32
    %mul3A_34 = arith.muli %mul3A_32, %mul3A_33 : i32
    "tpu.region"() ({
      %run_scoped3A = tpu.sem_alloc : memref<!tpu.dma_semaphore, #tpu.memory_space<semaphore_mem>>
      %dma_start3A = tpu.memref_slice %arg2[%mul3A_34] : memref<28160xf32, #tpu.memory_space<hbm>> -> memref<7040xf32, #tpu.memory_space<hbm>>
      %dma_start3A_88 = tpu.memref_slice %arg2[%mul3A_34] : memref<28160xf32, #tpu.memory_space<hbm>> -> memref<7040xf32, #tpu.memory_space<hbm>>
      tpu.enqueue_dma source(%dma_start3A_88 : memref<7040xf32, #tpu.memory_space<hbm>>) target(%arg9 : memref<7040xf32, #tpu.memory_space<vmem>>) target_semaphore(%run_scoped3A : memref<!tpu.dma_semaphore, #tpu.memory_space<semaphore_mem>>)
      %dma_wait3A = tpu.memref_slice %arg2[%mul3A_34] : memref<28160xf32, #tpu.memory_space<hbm>> -> memref<7040xf32, #tpu.memory_space<hbm>>
      %dma_wait3A_89 = tpu.memref_slice %arg2[%mul3A_34] : memref<28160xf32, #tpu.memory_space<hbm>> -> memref<7040xf32, #tpu.memory_space<hbm>>
      tpu.wait_dma2 semaphore(%run_scoped3A : memref<!tpu.dma_semaphore, #tpu.memory_space<semaphore_mem>>) src(%dma_wait3A_89 : memref<7040xf32, #tpu.memory_space<hbm>>) dst(%arg9 : memref<7040xf32, #tpu.memory_space<vmem>>)
      tpu.yield
    }) : () -> ()
    %mul3A_35 = arith.constant 4 : i32
    %mul3A_36 = arith.muli %select_n3A, %mul3A_35 : i32
    %mul3A_37 = arith.constant 64 : i32
    %mul3A_38 = arith.muli %mul3A_36, %mul3A_37 : i32
    "tpu.region"() ({
      %run_scoped3A = tpu.sem_alloc : memref<!tpu.dma_semaphore, #tpu.memory_space<semaphore_mem>>
      %dma_start3A = tpu.memref_slice %arg3[%mul3A_38] : memref<2048xf32, #tpu.memory_space<hbm>> -> memref<256xf32, #tpu.memory_space<hbm>>
      %dma_start3A_88 = tpu.memref_slice %arg3[%mul3A_38] : memref<2048xf32, #tpu.memory_space<hbm>> -> memref<256xf32, #tpu.memory_space<hbm>>
      tpu.enqueue_dma source(%dma_start3A_88 : memref<256xf32, #tpu.memory_space<hbm>>) target(%arg10 : memref<256xf32, #tpu.memory_space<vmem>>) target_semaphore(%run_scoped3A : memref<!tpu.dma_semaphore, #tpu.memory_space<semaphore_mem>>)
      %dma_wait3A = tpu.memref_slice %arg3[%mul3A_38] : memref<2048xf32, #tpu.memory_space<hbm>> -> memref<256xf32, #tpu.memory_space<hbm>>
      %dma_wait3A_89 = tpu.memref_slice %arg3[%mul3A_38] : memref<2048xf32, #tpu.memory_space<hbm>> -> memref<256xf32, #tpu.memory_space<hbm>>
      tpu.wait_dma2 semaphore(%run_scoped3A : memref<!tpu.dma_semaphore, #tpu.memory_space<semaphore_mem>>) src(%dma_wait3A_89 : memref<256xf32, #tpu.memory_space<hbm>>) dst(%arg10 : memref<256xf32, #tpu.memory_space<vmem>>)
      tpu.yield
    }) : () -> ()
    %mul3A_39 = arith.constant 64 : i32
    %mul3A_40 = arith.muli %select_n3A, %mul3A_39 : i32
    "tpu.region"() ({
      %run_scoped3A = tpu.sem_alloc : memref<!tpu.dma_semaphore, #tpu.memory_space<semaphore_mem>>
      %dma_start3A = tpu.memref_slice %arg4[%mul3A_40] : memref<512xi32, #tpu.memory_space<hbm>> -> memref<64xi32, #tpu.memory_space<hbm>>
      %dma_start3A_88 = tpu.memref_slice %arg4[%mul3A_40] : memref<512xi32, #tpu.memory_space<hbm>> -> memref<64xi32, #tpu.memory_space<hbm>>
      tpu.enqueue_dma source(%dma_start3A_88 : memref<64xi32, #tpu.memory_space<hbm>>) target(%arg11 : memref<64xi32, #tpu.memory_space<vmem>>) target_semaphore(%run_scoped3A : memref<!tpu.dma_semaphore, #tpu.memory_space<semaphore_mem>>)
      %dma_wait3A = tpu.memref_slice %arg4[%mul3A_40] : memref<512xi32, #tpu.memory_space<hbm>> -> memref<64xi32, #tpu.memory_space<hbm>>
      %dma_wait3A_89 = tpu.memref_slice %arg4[%mul3A_40] : memref<512xi32, #tpu.memory_space<hbm>> -> memref<64xi32, #tpu.memory_space<hbm>>
      tpu.wait_dma2 semaphore(%run_scoped3A : memref<!tpu.dma_semaphore, #tpu.memory_space<semaphore_mem>>) src(%dma_wait3A_89 : memref<64xi32, #tpu.memory_space<hbm>>) dst(%arg11 : memref<64xi32, #tpu.memory_space<vmem>>)
      tpu.yield
    }) : () -> ()
    %mul3A_41 = arith.constant 4 : i32
    %mul3A_42 = arith.muli %select_n3A, %mul3A_41 : i32
    %add3A_43 = arith.addi %mul3A_42, %select_n3A_30 : i32
    %mul3A_44 = arith.constant 1408 : i32
    %mul3A_45 = arith.muli %add3A_43, %mul3A_44 : i32
    "tpu.region"() ({
      %run_scoped3A = tpu.sem_alloc : memref<!tpu.dma_semaphore, #tpu.memory_space<semaphore_mem>>
      %dma_start3A = tpu.memref_slice %arg5[%mul3A_45] : memref<45056xi32, #tpu.memory_space<hbm>> -> memref<1408xi32, #tpu.memory_space<hbm>>
      %dma_start3A_88 = tpu.memref_slice %arg5[%mul3A_45] : memref<45056xi32, #tpu.memory_space<hbm>> -> memref<1408xi32, #tpu.memory_space<hbm>>
      tpu.enqueue_dma source(%dma_start3A_88 : memref<1408xi32, #tpu.memory_space<hbm>>) target(%arg14 : memref<1408xi32, #tpu.memory_space<vmem>>) target_semaphore(%run_scoped3A : memref<!tpu.dma_semaphore, #tpu.memory_space<semaphore_mem>>)
      %dma_wait3A = tpu.memref_slice %arg5[%mul3A_45] : memref<45056xi32, #tpu.memory_space<hbm>> -> memref<1408xi32, #tpu.memory_space<hbm>>
      %dma_wait3A_89 = tpu.memref_slice %arg5[%mul3A_45] : memref<45056xi32, #tpu.memory_space<hbm>> -> memref<1408xi32, #tpu.memory_space<hbm>>
      tpu.wait_dma2 semaphore(%run_scoped3A : memref<!tpu.dma_semaphore, #tpu.memory_space<semaphore_mem>>) src(%dma_wait3A_89 : memref<1408xi32, #tpu.memory_space<hbm>>) dst(%arg14 : memref<1408xi32, #tpu.memory_space<vmem>>)
      tpu.yield
    }) : () -> ()
    %scan3A = arith.constant 0 : i32
    %scan3A_46 = arith.constant 0 : i32
    %scan3A_47 = arith.constant 16 : i32
    %scan3A_48 = arith.addi %scan3A_46, %scan3A_47 : i32
    %scan3A_49 = arith.constant 1 : i32
    scf.for %scan3A_88 = %scan3A_46 to %scan3A_48 step %scan3A_49  : i32 {
      %mul3A_89 = arith.constant 16 : i32
      %mul3A_90 = arith.muli %scan3A_88, %mul3A_89 : i32
      %get3A = arith.index_cast %mul3A_90 : i32 to index
      %get3A_91 = tpu.vector_load %arg10[%get3A] {strides = array<i32>} : memref<256xf32, #tpu.memory_space<vmem>>, vector<16xf32>,
      %get3A_92 = vector.shape_cast %get3A_91 : vector<16xf32> to vector<16xf32>
      %mul3A_93 = arith.constant 64 : i32
      %mul3A_94 = arith.muli %scan3A_88, %mul3A_93 : i32
      %add3A_95 = arith.constant 0 : i32
      %add3A_96 = arith.addi %mul3A_94, %add3A_95 : i32
      %slice3A = vector.extract_strided_slice %get3A_92 {offsets = [0], sizes = [1], strides = [1]} : vector<16xf32> to vector<1xf32>
      %squeeze3A = vector.extract %slice3A[0] : f32 from vector<1xf32>
      %slice3A_97 = vector.extract_strided_slice %get3A_92 {offsets = [1], sizes = [1], strides = [1]} : vector<16xf32> to vector<1xf32>
      %squeeze3A_98 = vector.extract %slice3A_97[0] : f32 from vector<1xf32>
      %slice3A_99 = vector.extract_strided_slice %get3A_92 {offsets = [2], sizes = [1], strides = [1]} : vector<16xf32> to vector<1xf32>
      %squeeze3A_100 = vector.extract %slice3A_99[0] : f32 from vector<1xf32>
      %slice3A_101 = vector.extract_strided_slice %get3A_92 {offsets = [3], sizes = [1], strides = [1]} : vector<16xf32> to vector<1xf32>
      %squeeze3A_102 = vector.extract %slice3A_101[0] : f32 from vector<1xf32>
      %broadcast_in_dim3A_103 = vector.broadcast %squeeze3A : f32 to vector<16xf32>
      %swap3A = arith.index_cast %add3A_96 : i32 to index
      %swap3A_104 = tpu.vector_load %arg12[%swap3A] {strides = array<i32>} : memref<6144xf32, #tpu.memory_space<vmem>>, vector<16xf32>,
      %swap3A_105 = vector.shape_cast %swap3A_104 : vector<16xf32> to vector<16xf32>
      %swap3A_106 = vector.shape_cast %broadcast_in_dim3A_103 : vector<16xf32> to vector<16xf32>
      tpu.vector_store %arg12[%swap3A], %swap3A_106 {strides = array<i32>} : memref<6144xf32, #tpu.memory_space<vmem>>, vector<16xf32>,
      %broadcast_in_dim3A_107 = vector.broadcast %squeeze3A_98 : f32 to vector<16xf32>
      %add3A_108 = arith.constant 1024 : i32
      %add3A_109 = arith.addi %add3A_96, %add3A_108 : i32
      %swap3A_110 = arith.index_cast %add3A_109 : i32 to index
      %swap3A_111 = tpu.vector_load %arg12[%swap3A_110] {strides = array<i32>} : memref<6144xf32, #tpu.memory_space<vmem>>, vector<16xf32>,
      %swap3A_112 = vector.shape_cast %swap3A_111 : vector<16xf32> to vector<16xf32>
      %swap3A_113 = vector.shape_cast %broadcast_in_dim3A_107 : vector<16xf32> to vector<16xf32>
      tpu.vector_store %arg12[%swap3A_110], %swap3A_113 {strides = array<i32>} : memref<6144xf32, #tpu.memory_space<vmem>>, vector<16xf32>,
      %broadcast_in_dim3A_114 = vector.broadcast %squeeze3A_100 : f32 to vector<16xf32>
      %add3A_115 = arith.constant 2048 : i32
      %add3A_116 = arith.addi %add3A_96, %add3A_115 : i32
      %swap3A_117 = arith.index_cast %add3A_116 : i32 to index
      %swap3A_118 = tpu.vector_load %arg12[%swap3A_117] {strides = array<i32>} : memref<6144xf32, #tpu.memory_space<vmem>>, vector<16xf32>,
      %swap3A_119 = vector.shape_cast %swap3A_118 : vector<16xf32> to vector<16xf32>
      %swap3A_120 = vector.shape_cast %broadcast_in_dim3A_114 : vector<16xf32> to vector<16xf32>
      tpu.vector_store %arg12[%swap3A_117], %swap3A_120 {strides = array<i32>} : memref<6144xf32, #tpu.memory_space<vmem>>, vector<16xf32>,
      %broadcast_in_dim3A_121 = vector.broadcast %squeeze3A_102 : f32 to vector<16xf32>
      %add3A_122 = arith.constant 3072 : i32
      %add3A_123 = arith.addi %add3A_96, %add3A_122 : i32
      %swap3A_124 = arith.index_cast %add3A_123 : i32 to index
      %swap3A_125 = tpu.vector_load %arg12[%swap3A_124] {strides = array<i32>} : memref<6144xf32, #tpu.memory_space<vmem>>, vector<16xf32>,
      %swap3A_126 = vector.shape_cast %swap3A_125 : vector<16xf32> to vector<16xf32>
      %swap3A_127 = vector.shape_cast %broadcast_in_dim3A_121 : vector<16xf32> to vector<16xf32>
      tpu.vector_store %arg12[%swap3A_124], %swap3A_127 {strides = array<i32>} : memref<6144xf32, #tpu.memory_space<vmem>>, vector<16xf32>,
      %add3A_128 = arith.addf %squeeze3A, %squeeze3A_100 : f32
      %mul3A_129 = arith.constant 5.000000e-01 : f32
      %mul3A_130 = arith.mulf %add3A_128, %mul3A_129 : f32
      %broadcast_in_dim3A_131 = vector.broadcast %mul3A_130 : f32 to vector<16xf32>
      %add3A_132 = arith.constant 4096 : i32
      %add3A_133 = arith.addi %add3A_96, %add3A_132 : i32
      %swap3A_134 = arith.index_cast %add3A_133 : i32 to index
      %swap3A_135 = tpu.vector_load %arg12[%swap3A_134] {strides = array<i32>} : memref<6144xf32, #tpu.memory_space<vmem>>, vector<16xf32>,
      %swap3A_136 = vector.shape_cast %swap3A_135 : vector<16xf32> to vector<16xf32>
      %swap3A_137 = vector.shape_cast %broadcast_in_dim3A_131 : vector<16xf32> to vector<16xf32>
      tpu.vector_store %arg12[%swap3A_134], %swap3A_137 {strides = array<i32>} : memref<6144xf32, #tpu.memory_space<vmem>>, vector<16xf32>,
      %add3A_138 = arith.addf %squeeze3A_98, %squeeze3A_102 : f32
      %mul3A_139 = arith.constant 5.000000e-01 : f32
      %mul3A_140 = arith.mulf %add3A_138, %mul3A_139 : f32
      %broadcast_in_dim3A_141 = vector.broadcast %mul3A_140 : f32 to vector<16xf32>
      %add3A_142 = arith.constant 5120 : i32
      %add3A_143 = arith.addi %add3A_96, %add3A_142 : i32
      %swap3A_144 = arith.index_cast %add3A_143 : i32 to index
      %swap3A_145 = tpu.vector_load %arg12[%swap3A_144] {strides = array<i32>} : memref<6144xf32, #tpu.memory_space<vmem>>, vector<16xf32>,
      %swap3A_146 = vector.shape_cast %swap3A_145 : vector<16xf32> to vector<16xf32>
      %swap3A_147 = vector.shape_cast %broadcast_in_dim3A_141 : vector<16xf32> to vector<16xf32>
      tpu.vector_store %arg12[%swap3A_144], %swap3A_147 {strides = array<i32>} : memref<6144xf32, #tpu.memory_space<vmem>>, vector<16xf32>,
      %add3A_148 = arith.constant 16 : i32
      %add3A_149 = arith.addi %mul3A_94, %add3A_148 : i32
      %slice3A_150 = vector.extract_strided_slice %get3A_92 {offsets = [4], sizes = [1], strides = [1]} : vector<16xf32> to vector<1xf32>
      %squeeze3A_151 = vector.extract %slice3A_150[0] : f32 from vector<1xf32>
      %slice3A_152 = vector.extract_strided_slice %get3A_92 {offsets = [5], sizes = [1], strides = [1]} : vector<16xf32> to vector<1xf32>
      %squeeze3A_153 = vector.extract %slice3A_152[0] : f32 from vector<1xf32>
      %slice3A_154 = vector.extract_strided_slice %get3A_92 {offsets = [6], sizes = [1], strides = [1]} : vector<16xf32> to vector<1xf32>
      %squeeze3A_155 = vector.extract %slice3A_154[0] : f32 from vector<1xf32>
      %slice3A_156 = vector.extract_strided_slice %get3A_92 {offsets = [7], sizes = [1], strides = [1]} : vector<16xf32> to vector<1xf32>
      %squeeze3A_157 = vector.extract %slice3A_156[0] : f32 from vector<1xf32>
      %broadcast_in_dim3A_158 = vector.broadcast %squeeze3A_151 : f32 to vector<16xf32>
      %swap3A_159 = arith.index_cast %add3A_149 : i32 to index
      %swap3A_160 = tpu.vector_load %arg12[%swap3A_159] {strides = array<i32>} : memref<6144xf32, #tpu.memory_space<vmem>>, vector<16xf32>,
      %swap3A_161 = vector.shape_cast %swap3A_160 : vector<16xf32> to vector<16xf32>
      %swap3A_162 = vector.shape_cast %broadcast_in_dim3A_158 : vector<16xf32> to vector<16xf32>
      tpu.vector_store %arg12[%swap3A_159], %swap3A_162 {strides = array<i32>} : memref<6144xf32, #tpu.memory_space<vmem>>, vector<16xf32>,
      %broadcast_in_dim3A_163 = vector.broadcast %squeeze3A_153 : f32 to vector<16xf32>
      %add3A_164 = arith.constant 1024 : i32
      %add3A_165 = arith.addi %add3A_149, %add3A_164 : i32
      %swap3A_166 = arith.index_cast %add3A_165 : i32 to index
      %swap3A_167 = tpu.vector_load %arg12[%swap3A_166] {strides = array<i32>} : memref<6144xf32, #tpu.memory_space<vmem>>, vector<16xf32>,
      %swap3A_168 = vector.shape_cast %swap3A_167 : vector<16xf32> to vector<16xf32>
      %swap3A_169 = vector.shape_cast %broadcast_in_dim3A_163 : vector<16xf32> to vector<16xf32>
      tpu.vector_store %arg12[%swap3A_166], %swap3A_169 {strides = array<i32>} : memref<6144xf32, #tpu.memory_space<vmem>>, vector<16xf32>,
      %broadcast_in_dim3A_170 = vector.broadcast %squeeze3A_155 : f32 to vector<16xf32>
      %add3A_171 = arith.constant 2048 : i32
      %add3A_172 = arith.addi %add3A_149, %add3A_171 : i32
      %swap3A_173 = arith.index_cast %add3A_172 : i32 to index
      %swap3A_174 = tpu.vector_load %arg12[%swap3A_173] {strides = array<i32>} : memref<6144xf32, #tpu.memory_space<vmem>>, vector<16xf32>,
      %swap3A_175 = vector.shape_cast %swap3A_174 : vector<16xf32> to vector<16xf32>
      %swap3A_176 = vector.shape_cast %broadcast_in_dim3A_170 : vector<16xf32> to vector<16xf32>
      tpu.vector_store %arg12[%swap3A_173], %swap3A_176 {strides = array<i32>} : memref<6144xf32, #tpu.memory_space<vmem>>, vector<16xf32>,
      %broadcast_in_dim3A_177 = vector.broadcast %squeeze3A_157 : f32 to vector<16xf32>
      %add3A_178 = arith.constant 3072 : i32
      %add3A_179 = arith.addi %add3A_149, %add3A_178 : i32
      %swap3A_180 = arith.index_cast %add3A_179 : i32 to index
      %swap3A_181 = tpu.vector_load %arg12[%swap3A_180] {strides = array<i32>} : memref<6144xf32, #tpu.memory_space<vmem>>, vector<16xf32>,
      %swap3A_182 = vector.shape_cast %swap3A_181 : vector<16xf32> to vector<16xf32>
      %swap3A_183 = vector.shape_cast %broadcast_in_dim3A_177 : vector<16xf32> to vector<16xf32>
      tpu.vector_store %arg12[%swap3A_180], %swap3A_183 {strides = array<i32>} : memref<6144xf32, #tpu.memory_space<vmem>>, vector<16xf32>,
      %add3A_184 = arith.addf %squeeze3A_151, %squeeze3A_155 : f32
      %mul3A_185 = arith.constant 5.000000e-01 : f32
      %mul3A_186 = arith.mulf %add3A_184, %mul3A_185 : f32
      %broadcast_in_dim3A_187 = vector.broadcast %mul3A_186 : f32 to vector<16xf32>
      %add3A_188 = arith.constant 4096 : i32
      %add3A_189 = arith.addi %add3A_149, %add3A_188 : i32
      %swap3A_190 = arith.index_cast %add3A_189 : i32 to index
      %swap3A_191 = tpu.vector_load %arg12[%swap3A_190] {strides = array<i32>} : memref<6144xf32, #tpu.memory_space<vmem>>, vector<16xf32>,
      %swap3A_192 = vector.shape_cast %swap3A_191 : vector<16xf32> to vector<16xf32>
      %swap3A_193 = vector.shape_cast %broadcast_in_dim3A_187 : vector<16xf32> to vector<16xf32>
      tpu.vector_store %arg12[%swap3A_190], %swap3A_193 {strides = array<i32>} : memref<6144xf32, #tpu.memory_space<vmem>>, vector<16xf32>,
      %add3A_194 = arith.addf %squeeze3A_153, %squeeze3A_157 : f32
      %mul3A_195 = arith.constant 5.000000e-01 : f32
      %mul3A_196 = arith.mulf %add3A_194, %mul3A_195 : f32
      %broadcast_in_dim3A_197 = vector.broadcast %mul3A_196 : f32 to vector<16xf32>
      %add3A_198 = arith.constant 5120 : i32
      %add3A_199 = arith.addi %add3A_149, %add3A_198 : i32
      %swap3A_200 = arith.index_cast %add3A_199 : i32 to index
      %swap3A_201 = tpu.vector_load %arg12[%swap3A_200] {strides = array<i32>} : memref<6144xf32, #tpu.memory_space<vmem>>, vector<16xf32>,
      %swap3A_202 = vector.shape_cast %swap3A_201 : vector<16xf32> to vector<16xf32>
      %swap3A_203 = vector.shape_cast %broadcast_in_dim3A_197 : vector<16xf32> to vector<16xf32>
      tpu.vector_store %arg12[%swap3A_200], %swap3A_203 {strides = array<i32>} : memref<6144xf32, #tpu.memory_space<vmem>>, vector<16xf32>,
      %add3A_204 = arith.constant 32 : i32
      %add3A_205 = arith.addi %mul3A_94, %add3A_204 : i32
      %slice3A_206 = vector.extract_strided_slice %get3A_92 {offsets = [8], sizes = [1], strides = [1]} : vector<16xf32> to vector<1xf32>
      %squeeze3A_207 = vector.extract %slice3A_206[0] : f32 from vector<1xf32>
      %slice3A_208 = vector.extract_strided_slice %get3A_92 {offsets = [9], sizes = [1], strides = [1]} : vector<16xf32> to vector<1xf32>
      %squeeze3A_209 = vector.extract %slice3A_208[0] : f32 from vector<1xf32>
      %slice3A_210 = vector.extract_strided_slice %get3A_92 {offsets = [10], sizes = [1], strides = [1]} : vector<16xf32> to vector<1xf32>
      %squeeze3A_211 = vector.extract %slice3A_210[0] : f32 from vector<1xf32>
      %slice3A_212 = vector.extract_strided_slice %get3A_92 {offsets = [11], sizes = [1], strides = [1]} : vector<16xf32> to vector<1xf32>
      %squeeze3A_213 = vector.extract %slice3A_212[0] : f32 from vector<1xf32>
      %broadcast_in_dim3A_214 = vector.broadcast %squeeze3A_207 : f32 to vector<16xf32>
      %swap3A_215 = arith.index_cast %add3A_205 : i32 to index
      %swap3A_216 = tpu.vector_load %arg12[%swap3A_215] {strides = array<i32>} : memref<6144xf32, #tpu.memory_space<vmem>>, vector<16xf32>,
      %swap3A_217 = vector.shape_cast %swap3A_216 : vector<16xf32> to vector<16xf32>
      %swap3A_218 = vector.shape_cast %broadcast_in_dim3A_214 : vector<16xf32> to vector<16xf32>
      tpu.vector_store %arg12[%swap3A_215], %swap3A_218 {strides = array<i32>} : memref<6144xf32, #tpu.memory_space<vmem>>, vector<16xf32>,
      %broadcast_in_dim3A_219 = vector.broadcast %squeeze3A_209 : f32 to vector<16xf32>
      %add3A_220 = arith.constant 1024 : i32
      %add3A_221 = arith.addi %add3A_205, %add3A_220 : i32
      %swap3A_222 = arith.index_cast %add3A_221 : i32 to index
      %swap3A_223 = tpu.vector_load %arg12[%swap3A_222] {strides = array<i32>} : memref<6144xf32, #tpu.memory_space<vmem>>, vector<16xf32>,
      %swap3A_224 = vector.shape_cast %swap3A_223 : vector<16xf32> to vector<16xf32>
      %swap3A_225 = vector.shape_cast %broadcast_in_dim3A_219 : vector<16xf32> to vector<16xf32>
      tpu.vector_store %arg12[%swap3A_222], %swap3A_225 {strides = array<i32>} : memref<6144xf32, #tpu.memory_space<vmem>>, vector<16xf32>,
      %broadcast_in_dim3A_226 = vector.broadcast %squeeze3A_211 : f32 to vector<16xf32>
      %add3A_227 = arith.constant 2048 : i32
      %add3A_228 = arith.addi %add3A_205, %add3A_227 : i32
      %swap3A_229 = arith.index_cast %add3A_228 : i32 to index
      %swap3A_230 = tpu.vector_load %arg12[%swap3A_229] {strides = array<i32>} : memref<6144xf32, #tpu.memory_space<vmem>>, vector<16xf32>,
      %swap3A_231 = vector.shape_cast %swap3A_230 : vector<16xf32> to vector<16xf32>
      %swap3A_232 = vector.shape_cast %broadcast_in_dim3A_226 : vector<16xf32> to vector<16xf32>
      tpu.vector_store %arg12[%swap3A_229], %swap3A_232 {strides = array<i32>} : memref<6144xf32, #tpu.memory_space<vmem>>, vector<16xf32>,
      %broadcast_in_dim3A_233 = vector.broadcast %squeeze3A_213 : f32 to vector<16xf32>
      %add3A_234 = arith.constant 3072 : i32
      %add3A_235 = arith.addi %add3A_205, %add3A_234 : i32
      %swap3A_236 = arith.index_cast %add3A_235 : i32 to index
      %swap3A_237 = tpu.vector_load %arg12[%swap3A_236] {strides = array<i32>} : memref<6144xf32, #tpu.memory_space<vmem>>, vector<16xf32>,
      %swap3A_238 = vector.shape_cast %swap3A_237 : vector<16xf32> to vector<16xf32>
      %swap3A_239 = vector.shape_cast %broadcast_in_dim3A_233 : vector<16xf32> to vector<16xf32>
      tpu.vector_store %arg12[%swap3A_236], %swap3A_239 {strides = array<i32>} : memref<6144xf32, #tpu.memory_space<vmem>>, vector<16xf32>,
      %add3A_240 = arith.addf %squeeze3A_207, %squeeze3A_211 : f32
      %mul3A_241 = arith.constant 5.000000e-01 : f32
      %mul3A_242 = arith.mulf %add3A_240, %mul3A_241 : f32
      %broadcast_in_dim3A_243 = vector.broadcast %mul3A_242 : f32 to vector<16xf32>
      %add3A_244 = arith.constant 4096 : i32
      %add3A_245 = arith.addi %add3A_205, %add3A_244 : i32
      %swap3A_246 = arith.index_cast %add3A_245 : i32 to index
      %swap3A_247 = tpu.vector_load %arg12[%swap3A_246] {strides = array<i32>} : memref<6144xf32, #tpu.memory_space<vmem>>, vector<16xf32>,
      %swap3A_248 = vector.shape_cast %swap3A_247 : vector<16xf32> to vector<16xf32>
      %swap3A_249 = vector.shape_cast %broadcast_in_dim3A_243 : vector<16xf32> to vector<16xf32>
      tpu.vector_store %arg12[%swap3A_246], %swap3A_249 {strides = array<i32>} : memref<6144xf32, #tpu.memory_space<vmem>>, vector<16xf32>,
      %add3A_250 = arith.addf %squeeze3A_209, %squeeze3A_213 : f32
      %mul3A_251 = arith.constant 5.000000e-01 : f32
      %mul3A_252 = arith.mulf %add3A_250, %mul3A_251 : f32
      %broadcast_in_dim3A_253 = vector.broadcast %mul3A_252 : f32 to vector<16xf32>
      %add3A_254 = arith.constant 5120 : i32
      %add3A_255 = arith.addi %add3A_205, %add3A_254 : i32
      %swap3A_256 = arith.index_cast %add3A_255 : i32 to index
      %swap3A_257 = tpu.vector_load %arg12[%swap3A_256] {strides = array<i32>} : memref<6144xf32, #tpu.memory_space<vmem>>, vector<16xf32>,
      %swap3A_258 = vector.shape_cast %swap3A_257 : vector<16xf32> to vector<16xf32>
      %swap3A_259 = vector.shape_cast %broadcast_in_dim3A_253 : vector<16xf32> to vector<16xf32>
      tpu.vector_store %arg12[%swap3A_256], %swap3A_259 {strides = array<i32>} : memref<6144xf32, #tpu.memory_space<vmem>>, vector<16xf32>,
      %add3A_260 = arith.constant 48 : i32
      %add3A_261 = arith.addi %mul3A_94, %add3A_260 : i32
      %slice3A_262 = vector.extract_strided_slice %get3A_92 {offsets = [12], sizes = [1], strides = [1]} : vector<16xf32> to vector<1xf32>
      %squeeze3A_263 = vector.extract %slice3A_262[0] : f32 from vector<1xf32>
      %slice3A_264 = vector.extract_strided_slice %get3A_92 {offsets = [13], sizes = [1], strides = [1]} : vector<16xf32> to vector<1xf32>
      %squeeze3A_265 = vector.extract %slice3A_264[0] : f32 from vector<1xf32>
      %slice3A_266 = vector.extract_strided_slice %get3A_92 {offsets = [14], sizes = [1], strides = [1]} : vector<16xf32> to vector<1xf32>
      %squeeze3A_267 = vector.extract %slice3A_266[0] : f32 from vector<1xf32>
      %slice3A_268 = vector.extract_strided_slice %get3A_92 {offsets = [15], sizes = [1], strides = [1]} : vector<16xf32> to vector<1xf32>
      %squeeze3A_269 = vector.extract %slice3A_268[0] : f32 from vector<1xf32>
      %broadcast_in_dim3A_270 = vector.broadcast %squeeze3A_263 : f32 to vector<16xf32>
      %swap3A_271 = arith.index_cast %add3A_261 : i32 to index
      %swap3A_272 = tpu.vector_load %arg12[%swap3A_271] {strides = array<i32>} : memref<6144xf32, #tpu.memory_space<vmem>>, vector<16xf32>,
      %swap3A_273 = vector.shape_cast %swap3A_272 : vector<16xf32> to vector<16xf32>
      %swap3A_274 = vector.shape_cast %broadcast_in_dim3A_270 : vector<16xf32> to vector<16xf32>
      tpu.vector_store %arg12[%swap3A_271], %swap3A_274 {strides = array<i32>} : memref<6144xf32, #tpu.memory_space<vmem>>, vector<16xf32>,
      %broadcast_in_dim3A_275 = vector.broadcast %squeeze3A_265 : f32 to vector<16xf32>
      %add3A_276 = arith.constant 1024 : i32
      %add3A_277 = arith.addi %add3A_261, %add3A_276 : i32
      %swap3A_278 = arith.index_cast %add3A_277 : i32 to index
      %swap3A_279 = tpu.vector_load %arg12[%swap3A_278] {strides = array<i32>} : memref<6144xf32, #tpu.memory_space<vmem>>, vector<16xf32>,
      %swap3A_280 = vector.shape_cast %swap3A_279 : vector<16xf32> to vector<16xf32>
      %swap3A_281 = vector.shape_cast %broadcast_in_dim3A_275 : vector<16xf32> to vector<16xf32>
      tpu.vector_store %arg12[%swap3A_278], %swap3A_281 {strides = array<i32>} : memref<6144xf32, #tpu.memory_space<vmem>>, vector<16xf32>,
      %broadcast_in_dim3A_282 = vector.broadcast %squeeze3A_267 : f32 to vector<16xf32>
      %add3A_283 = arith.constant 2048 : i32
      %add3A_284 = arith.addi %add3A_261, %add3A_283 : i32
      %swap3A_285 = arith.index_cast %add3A_284 : i32 to index
      %swap3A_286 = tpu.vector_load %arg12[%swap3A_285] {strides = array<i32>} : memref<6144xf32, #tpu.memory_space<vmem>>, vector<16xf32>,
      %swap3A_287 = vector.shape_cast %swap3A_286 : vector<16xf32> to vector<16xf32>
      %swap3A_288 = vector.shape_cast %broadcast_in_dim3A_282 : vector<16xf32> to vector<16xf32>
      tpu.vector_store %arg12[%swap3A_285], %swap3A_288 {strides = array<i32>} : memref<6144xf32, #tpu.memory_space<vmem>>, vector<16xf32>,
      %broadcast_in_dim3A_289 = vector.broadcast %squeeze3A_269 : f32 to vector<16xf32>
      %add3A_290 = arith.constant 3072 : i32
      %add3A_291 = arith.addi %add3A_261, %add3A_290 : i32
      %swap3A_292 = arith.index_cast %add3A_291 : i32 to index
      %swap3A_293 = tpu.vector_load %arg12[%swap3A_292] {strides = array<i32>} : memref<6144xf32, #tpu.memory_space<vmem>>, vector<16xf32>,
      %swap3A_294 = vector.shape_cast %swap3A_293 : vector<16xf32> to vector<16xf32>
      %swap3A_295 = vector.shape_cast %broadcast_in_dim3A_289 : vector<16xf32> to vector<16xf32>
      tpu.vector_store %arg12[%swap3A_292], %swap3A_295 {strides = array<i32>} : memref<6144xf32, #tpu.memory_space<vmem>>, vector<16xf32>,
      %add3A_296 = arith.addf %squeeze3A_263, %squeeze3A_267 : f32
      %mul3A_297 = arith.constant 5.000000e-01 : f32
      %mul3A_298 = arith.mulf %add3A_296, %mul3A_297 : f32
      %broadcast_in_dim3A_299 = vector.broadcast %mul3A_298 : f32 to vector<16xf32>
      %add3A_300 = arith.constant 4096 : i32
      %add3A_301 = arith.addi %add3A_261, %add3A_300 : i32
      %swap3A_302 = arith.index_cast %add3A_301 : i32 to index
      %swap3A_303 = tpu.vector_load %arg12[%swap3A_302] {strides = array<i32>} : memref<6144xf32, #tpu.memory_space<vmem>>, vector<16xf32>,
      %swap3A_304 = vector.shape_cast %swap3A_303 : vector<16xf32> to vector<16xf32>
      %swap3A_305 = vector.shape_cast %broadcast_in_dim3A_299 : vector<16xf32> to vector<16xf32>
      tpu.vector_store %arg12[%swap3A_302], %swap3A_305 {strides = array<i32>} : memref<6144xf32, #tpu.memory_space<vmem>>, vector<16xf32>,
      %add3A_306 = arith.addf %squeeze3A_265, %squeeze3A_269 : f32
      %mul3A_307 = arith.constant 5.000000e-01 : f32
      %mul3A_308 = arith.mulf %add3A_306, %mul3A_307 : f32
      %broadcast_in_dim3A_309 = vector.broadcast %mul3A_308 : f32 to vector<16xf32>
      %add3A_310 = arith.constant 5120 : i32
      %add3A_311 = arith.addi %add3A_261, %add3A_310 : i32
      %swap3A_312 = arith.index_cast %add3A_311 : i32 to index
      %swap3A_313 = tpu.vector_load %arg12[%swap3A_312] {strides = array<i32>} : memref<6144xf32, #tpu.memory_space<vmem>>, vector<16xf32>,
      %swap3A_314 = vector.shape_cast %swap3A_313 : vector<16xf32> to vector<16xf32>
      %swap3A_315 = vector.shape_cast %broadcast_in_dim3A_309 : vector<16xf32> to vector<16xf32>
      tpu.vector_store %arg12[%swap3A_312], %swap3A_315 {strides = array<i32>} : memref<6144xf32, #tpu.memory_space<vmem>>, vector<16xf32>,
    }
    %scan3A_50 = arith.constant 16 : i32
    %scan3A_51 = arith.constant 0 : i32
    %scan3A_52 = arith.constant 0 : i32
    %scan3A_53 = arith.constant 4 : i32
    %scan3A_54 = arith.addi %scan3A_52, %scan3A_53 : i32
    %scan3A_55 = arith.constant 1 : i32
    scf.for %scan3A_88 = %scan3A_52 to %scan3A_54 step %scan3A_55  : i32 {
      %mul3A_89 = arith.constant 16 : i32
      %mul3A_90 = arith.muli %scan3A_88, %mul3A_89 : i32
      %get3A = arith.index_cast %mul3A_90 : i32 to index
      %get3A_91 = tpu.vector_load %arg11[%get3A] {strides = array<i32>} : memref<64xi32, #tpu.memory_space<vmem>>, vector<16xi32>,
      %get3A_92 = vector.shape_cast %get3A_91 : vector<16xi32> to vector<16xi32>
      %mul3A_93 = arith.constant 256 : i32
      %mul3A_94 = arith.muli %scan3A_88, %mul3A_93 : i32
      %slice3A = vector.extract_strided_slice %get3A_92 {offsets = [0], sizes = [1], strides = [1]} : vector<16xi32> to vector<1xi32>
      %squeeze3A = vector.extract %slice3A[0] : i32 from vector<1xi32>
      %broadcast_in_dim3A_95 = vector.broadcast %squeeze3A : i32 to vector<16xi32>
      %add3A_96 = arith.constant 0 : i32
      %add3A_97 = arith.addi %mul3A_94, %add3A_96 : i32
      %swap3A = arith.index_cast %add3A_97 : i32 to index
      %swap3A_98 = tpu.vector_load %arg13[%swap3A] {strides = array<i32>} : memref<1024xi32, #tpu.memory_space<vmem>>, vector<16xi32>,
      %swap3A_99 = vector.shape_cast %swap3A_98 : vector<16xi32> to vector<16xi32>
      %swap3A_100 = vector.shape_cast %broadcast_in_dim3A_95 : vector<16xi32> to vector<16xi32>
      tpu.vector_store %arg13[%swap3A], %swap3A_100 {strides = array<i32>} : memref<1024xi32, #tpu.memory_space<vmem>>, vector<16xi32>,
      %slice3A_101 = vector.extract_strided_slice %get3A_92 {offsets = [1], sizes = [1], strides = [1]} : vector<16xi32> to vector<1xi32>
      %squeeze3A_102 = vector.extract %slice3A_101[0] : i32 from vector<1xi32>
      %broadcast_in_dim3A_103 = vector.broadcast %squeeze3A_102 : i32 to vector<16xi32>
      %add3A_104 = arith.constant 16 : i32
      %add3A_105 = arith.addi %mul3A_94, %add3A_104 : i32
      %swap3A_106 = arith.index_cast %add3A_105 : i32 to index
      %swap3A_107 = tpu.vector_load %arg13[%swap3A_106] {strides = array<i32>} : memref<1024xi32, #tpu.memory_space<vmem>>, vector<16xi32>,
      %swap3A_108 = vector.shape_cast %swap3A_107 : vector<16xi32> to vector<16xi32>
      %swap3A_109 = vector.shape_cast %broadcast_in_dim3A_103 : vector<16xi32> to vector<16xi32>
      tpu.vector_store %arg13[%swap3A_106], %swap3A_109 {strides = array<i32>} : memref<1024xi32, #tpu.memory_space<vmem>>, vector<16xi32>,
      %slice3A_110 = vector.extract_strided_slice %get3A_92 {offsets = [2], sizes = [1], strides = [1]} : vector<16xi32> to vector<1xi32>
      %squeeze3A_111 = vector.extract %slice3A_110[0] : i32 from vector<1xi32>
      %broadcast_in_dim3A_112 = vector.broadcast %squeeze3A_111 : i32 to vector<16xi32>
      %add3A_113 = arith.constant 32 : i32
      %add3A_114 = arith.addi %mul3A_94, %add3A_113 : i32
      %swap3A_115 = arith.index_cast %add3A_114 : i32 to index
      %swap3A_116 = tpu.vector_load %arg13[%swap3A_115] {strides = array<i32>} : memref<1024xi32, #tpu.memory_space<vmem>>, vector<16xi32>,
      %swap3A_117 = vector.shape_cast %swap3A_116 : vector<16xi32> to vector<16xi32>
      %swap3A_118 = vector.shape_cast %broadcast_in_dim3A_112 : vector<16xi32> to vector<16xi32>
      tpu.vector_store %arg13[%swap3A_115], %swap3A_118 {strides = array<i32>} : memref<1024xi32, #tpu.memory_space<vmem>>, vector<16xi32>,
      %slice3A_119 = vector.extract_strided_slice %get3A_92 {offsets = [3], sizes = [1], strides = [1]} : vector<16xi32> to vector<1xi32>
      %squeeze3A_120 = vector.extract %slice3A_119[0] : i32 from vector<1xi32>
      %broadcast_in_dim3A_121 = vector.broadcast %squeeze3A_120 : i32 to vector<16xi32>
      %add3A_122 = arith.constant 48 : i32
      %add3A_123 = arith.addi %mul3A_94, %add3A_122 : i32
      %swap3A_124 = arith.index_cast %add3A_123 : i32 to index
      %swap3A_125 = tpu.vector_load %arg13[%swap3A_124] {strides = array<i32>} : memref<1024xi32, #tpu.memory_space<vmem>>, vector<16xi32>,
      %swap3A_126 = vector.shape_cast %swap3A_125 : vector<16xi32> to vector<16xi32>
      %swap3A_127 = vector.shape_cast %broadcast_in_dim3A_121 : vector<16xi32> to vector<16xi32>
      tpu.vector_store %arg13[%swap3A_124], %swap3A_127 {strides = array<i32>} : memref<1024xi32, #tpu.memory_space<vmem>>, vector<16xi32>,
      %slice3A_128 = vector.extract_strided_slice %get3A_92 {offsets = [4], sizes = [1], strides = [1]} : vector<16xi32> to vector<1xi32>
      %squeeze3A_129 = vector.extract %slice3A_128[0] : i32 from vector<1xi32>
      %broadcast_in_dim3A_130 = vector.broadcast %squeeze3A_129 : i32 to vector<16xi32>
      %add3A_131 = arith.constant 64 : i32
      %add3A_132 = arith.addi %mul3A_94, %add3A_131 : i32
      %swap3A_133 = arith.index_cast %add3A_132 : i32 to index
      %swap3A_134 = tpu.vector_load %arg13[%swap3A_133] {strides = array<i32>} : memref<1024xi32, #tpu.memory_space<vmem>>, vector<16xi32>,
      %swap3A_135 = vector.shape_cast %swap3A_134 : vector<16xi32> to vector<16xi32>
      %swap3A_136 = vector.shape_cast %broadcast_in_dim3A_130 : vector<16xi32> to vector<16xi32>
      tpu.vector_store %arg13[%swap3A_133], %swap3A_136 {strides = array<i32>} : memref<1024xi32, #tpu.memory_space<vmem>>, vector<16xi32>,
      %slice3A_137 = vector.extract_strided_slice %get3A_92 {offsets = [5], sizes = [1], strides = [1]} : vector<16xi32> to vector<1xi32>
      %squeeze3A_138 = vector.extract %slice3A_137[0] : i32 from vector<1xi32>
      %broadcast_in_dim3A_139 = vector.broadcast %squeeze3A_138 : i32 to vector<16xi32>
      %add3A_140 = arith.constant 80 : i32
      %add3A_141 = arith.addi %mul3A_94, %add3A_140 : i32
      %swap3A_142 = arith.index_cast %add3A_141 : i32 to index
      %swap3A_143 = tpu.vector_load %arg13[%swap3A_142] {strides = array<i32>} : memref<1024xi32, #tpu.memory_space<vmem>>, vector<16xi32>,
      %swap3A_144 = vector.shape_cast %swap3A_143 : vector<16xi32> to vector<16xi32>
      %swap3A_145 = vector.shape_cast %broadcast_in_dim3A_139 : vector<16xi32> to vector<16xi32>
      tpu.vector_store %arg13[%swap3A_142], %swap3A_145 {strides = array<i32>} : memref<1024xi32, #tpu.memory_space<vmem>>, vector<16xi32>,
      %slice3A_146 = vector.extract_strided_slice %get3A_92 {offsets = [6], sizes = [1], strides = [1]} : vector<16xi32> to vector<1xi32>
      %squeeze3A_147 = vector.extract %slice3A_146[0] : i32 from vector<1xi32>
      %broadcast_in_dim3A_148 = vector.broadcast %squeeze3A_147 : i32 to vector<16xi32>
      %add3A_149 = arith.constant 96 : i32
      %add3A_150 = arith.addi %mul3A_94, %add3A_149 : i32
      %swap3A_151 = arith.index_cast %add3A_150 : i32 to index
      %swap3A_152 = tpu.vector_load %arg13[%swap3A_151] {strides = array<i32>} : memref<1024xi32, #tpu.memory_space<vmem>>, vector<16xi32>,
      %swap3A_153 = vector.shape_cast %swap3A_152 : vector<16xi32> to vector<16xi32>
      %swap3A_154 = vector.shape_cast %broadcast_in_dim3A_148 : vector<16xi32> to vector<16xi32>
      tpu.vector_store %arg13[%swap3A_151], %swap3A_154 {strides = array<i32>} : memref<1024xi32, #tpu.memory_space<vmem>>, vector<16xi32>,
      %slice3A_155 = vector.extract_strided_slice %get3A_92 {offsets = [7], sizes = [1], strides = [1]} : vector<16xi32> to vector<1xi32>
      %squeeze3A_156 = vector.extract %slice3A_155[0] : i32 from vector<1xi32>
      %broadcast_in_dim3A_157 = vector.broadcast %squeeze3A_156 : i32 to vector<16xi32>
      %add3A_158 = arith.constant 112 : i32
      %add3A_159 = arith.addi %mul3A_94, %add3A_158 : i32
      %swap3A_160 = arith.index_cast %add3A_159 : i32 to index
      %swap3A_161 = tpu.vector_load %arg13[%swap3A_160] {strides = array<i32>} : memref<1024xi32, #tpu.memory_space<vmem>>, vector<16xi32>,
      %swap3A_162 = vector.shape_cast %swap3A_161 : vector<16xi32> to vector<16xi32>
      %swap3A_163 = vector.shape_cast %broadcast_in_dim3A_157 : vector<16xi32> to vector<16xi32>
      tpu.vector_store %arg13[%swap3A_160], %swap3A_163 {strides = array<i32>} : memref<1024xi32, #tpu.memory_space<vmem>>, vector<16xi32>,
      %slice3A_164 = vector.extract_strided_slice %get3A_92 {offsets = [8], sizes = [1], strides = [1]} : vector<16xi32> to vector<1xi32>
      %squeeze3A_165 = vector.extract %slice3A_164[0] : i32 from vector<1xi32>
      %broadcast_in_dim3A_166 = vector.broadcast %squeeze3A_165 : i32 to vector<16xi32>
      %add3A_167 = arith.constant 128 : i32
      %add3A_168 = arith.addi %mul3A_94, %add3A_167 : i32
      %swap3A_169 = arith.index_cast %add3A_168 : i32 to index
      %swap3A_170 = tpu.vector_load %arg13[%swap3A_169] {strides = array<i32>} : memref<1024xi32, #tpu.memory_space<vmem>>, vector<16xi32>,
      %swap3A_171 = vector.shape_cast %swap3A_170 : vector<16xi32> to vector<16xi32>
      %swap3A_172 = vector.shape_cast %broadcast_in_dim3A_166 : vector<16xi32> to vector<16xi32>
      tpu.vector_store %arg13[%swap3A_169], %swap3A_172 {strides = array<i32>} : memref<1024xi32, #tpu.memory_space<vmem>>, vector<16xi32>,
      %slice3A_173 = vector.extract_strided_slice %get3A_92 {offsets = [9], sizes = [1], strides = [1]} : vector<16xi32> to vector<1xi32>
      %squeeze3A_174 = vector.extract %slice3A_173[0] : i32 from vector<1xi32>
      %broadcast_in_dim3A_175 = vector.broadcast %squeeze3A_174 : i32 to vector<16xi32>
      %add3A_176 = arith.constant 144 : i32
      %add3A_177 = arith.addi %mul3A_94, %add3A_176 : i32
      %swap3A_178 = arith.index_cast %add3A_177 : i32 to index
      %swap3A_179 = tpu.vector_load %arg13[%swap3A_178] {strides = array<i32>} : memref<1024xi32, #tpu.memory_space<vmem>>, vector<16xi32>,
      %swap3A_180 = vector.shape_cast %swap3A_179 : vector<16xi32> to vector<16xi32>
      %swap3A_181 = vector.shape_cast %broadcast_in_dim3A_175 : vector<16xi32> to vector<16xi32>
      tpu.vector_store %arg13[%swap3A_178], %swap3A_181 {strides = array<i32>} : memref<1024xi32, #tpu.memory_space<vmem>>, vector<16xi32>,
      %slice3A_182 = vector.extract_strided_slice %get3A_92 {offsets = [10], sizes = [1], strides = [1]} : vector<16xi32> to vector<1xi32>
      %squeeze3A_183 = vector.extract %slice3A_182[0] : i32 from vector<1xi32>
      %broadcast_in_dim3A_184 = vector.broadcast %squeeze3A_183 : i32 to vector<16xi32>
      %add3A_185 = arith.constant 160 : i32
      %add3A_186 = arith.addi %mul3A_94, %add3A_185 : i32
      %swap3A_187 = arith.index_cast %add3A_186 : i32 to index
      %swap3A_188 = tpu.vector_load %arg13[%swap3A_187] {strides = array<i32>} : memref<1024xi32, #tpu.memory_space<vmem>>, vector<16xi32>,
      %swap3A_189 = vector.shape_cast %swap3A_188 : vector<16xi32> to vector<16xi32>
      %swap3A_190 = vector.shape_cast %broadcast_in_dim3A_184 : vector<16xi32> to vector<16xi32>
      tpu.vector_store %arg13[%swap3A_187], %swap3A_190 {strides = array<i32>} : memref<1024xi32, #tpu.memory_space<vmem>>, vector<16xi32>,
      %slice3A_191 = vector.extract_strided_slice %get3A_92 {offsets = [11], sizes = [1], strides = [1]} : vector<16xi32> to vector<1xi32>
      %squeeze3A_192 = vector.extract %slice3A_191[0] : i32 from vector<1xi32>
      %broadcast_in_dim3A_193 = vector.broadcast %squeeze3A_192 : i32 to vector<16xi32>
      %add3A_194 = arith.constant 176 : i32
      %add3A_195 = arith.addi %mul3A_94, %add3A_194 : i32
      %swap3A_196 = arith.index_cast %add3A_195 : i32 to index
      %swap3A_197 = tpu.vector_load %arg13[%swap3A_196] {strides = array<i32>} : memref<1024xi32, #tpu.memory_space<vmem>>, vector<16xi32>,
      %swap3A_198 = vector.shape_cast %swap3A_197 : vector<16xi32> to vector<16xi32>
      %swap3A_199 = vector.shape_cast %broadcast_in_dim3A_193 : vector<16xi32> to vector<16xi32>
      tpu.vector_store %arg13[%swap3A_196], %swap3A_199 {strides = array<i32>} : memref<1024xi32, #tpu.memory_space<vmem>>, vector<16xi32>,
      %slice3A_200 = vector.extract_strided_slice %get3A_92 {offsets = [12], sizes = [1], strides = [1]} : vector<16xi32> to vector<1xi32>
      %squeeze3A_201 = vector.extract %slice3A_200[0] : i32 from vector<1xi32>
      %broadcast_in_dim3A_202 = vector.broadcast %squeeze3A_201 : i32 to vector<16xi32>
      %add3A_203 = arith.constant 192 : i32
      %add3A_204 = arith.addi %mul3A_94, %add3A_203 : i32
      %swap3A_205 = arith.index_cast %add3A_204 : i32 to index
      %swap3A_206 = tpu.vector_load %arg13[%swap3A_205] {strides = array<i32>} : memref<1024xi32, #tpu.memory_space<vmem>>, vector<16xi32>,
      %swap3A_207 = vector.shape_cast %swap3A_206 : vector<16xi32> to vector<16xi32>
      %swap3A_208 = vector.shape_cast %broadcast_in_dim3A_202 : vector<16xi32> to vector<16xi32>
      tpu.vector_store %arg13[%swap3A_205], %swap3A_208 {strides = array<i32>} : memref<1024xi32, #tpu.memory_space<vmem>>, vector<16xi32>,
      %slice3A_209 = vector.extract_strided_slice %get3A_92 {offsets = [13], sizes = [1], strides = [1]} : vector<16xi32> to vector<1xi32>
      %squeeze3A_210 = vector.extract %slice3A_209[0] : i32 from vector<1xi32>
      %broadcast_in_dim3A_211 = vector.broadcast %squeeze3A_210 : i32 to vector<16xi32>
      %add3A_212 = arith.constant 208 : i32
      %add3A_213 = arith.addi %mul3A_94, %add3A_212 : i32
      %swap3A_214 = arith.index_cast %add3A_213 : i32 to index
      %swap3A_215 = tpu.vector_load %arg13[%swap3A_214] {strides = array<i32>} : memref<1024xi32, #tpu.memory_space<vmem>>, vector<16xi32>,
      %swap3A_216 = vector.shape_cast %swap3A_215 : vector<16xi32> to vector<16xi32>
      %swap3A_217 = vector.shape_cast %broadcast_in_dim3A_211 : vector<16xi32> to vector<16xi32>
      tpu.vector_store %arg13[%swap3A_214], %swap3A_217 {strides = array<i32>} : memref<1024xi32, #tpu.memory_space<vmem>>, vector<16xi32>,
      %slice3A_218 = vector.extract_strided_slice %get3A_92 {offsets = [14], sizes = [1], strides = [1]} : vector<16xi32> to vector<1xi32>
      %squeeze3A_219 = vector.extract %slice3A_218[0] : i32 from vector<1xi32>
      %broadcast_in_dim3A_220 = vector.broadcast %squeeze3A_219 : i32 to vector<16xi32>
      %add3A_221 = arith.constant 224 : i32
      %add3A_222 = arith.addi %mul3A_94, %add3A_221 : i32
      %swap3A_223 = arith.index_cast %add3A_222 : i32 to index
      %swap3A_224 = tpu.vector_load %arg13[%swap3A_223] {strides = array<i32>} : memref<1024xi32, #tpu.memory_space<vmem>>, vector<16xi32>,
      %swap3A_225 = vector.shape_cast %swap3A_224 : vector<16xi32> to vector<16xi32>
      %swap3A_226 = vector.shape_cast %broadcast_in_dim3A_220 : vector<16xi32> to vector<16xi32>
      tpu.vector_store %arg13[%swap3A_223], %swap3A_226 {strides = array<i32>} : memref<1024xi32, #tpu.memory_space<vmem>>, vector<16xi32>,
      %slice3A_227 = vector.extract_strided_slice %get3A_92 {offsets = [15], sizes = [1], strides = [1]} : vector<16xi32> to vector<1xi32>
      %squeeze3A_228 = vector.extract %slice3A_227[0] : i32 from vector<1xi32>
      %broadcast_in_dim3A_229 = vector.broadcast %squeeze3A_228 : i32 to vector<16xi32>
      %add3A_230 = arith.constant 240 : i32
      %add3A_231 = arith.addi %mul3A_94, %add3A_230 : i32
      %swap3A_232 = arith.index_cast %add3A_231 : i32 to index
      %swap3A_233 = tpu.vector_load %arg13[%swap3A_232] {strides = array<i32>} : memref<1024xi32, #tpu.memory_space<vmem>>, vector<16xi32>,
      %swap3A_234 = vector.shape_cast %swap3A_233 : vector<16xi32> to vector<16xi32>
      %swap3A_235 = vector.shape_cast %broadcast_in_dim3A_229 : vector<16xi32> to vector<16xi32>
      tpu.vector_store %arg13[%swap3A_232], %swap3A_235 {strides = array<i32>} : memref<1024xi32, #tpu.memory_space<vmem>>, vector<16xi32>,
    }
    %scan3A_56 = arith.constant 4 : i32
    %broadcast_in_dim3A = arith.constant 1.000000e+08 : f32
    %broadcast_in_dim3A_57 = vector.broadcast %broadcast_in_dim3A : f32 to vector<16xf32>
    %broadcast_in_dim3A_58 = arith.constant -1.000000e+00 : f32
    %broadcast_in_dim3A_59 = vector.broadcast %broadcast_in_dim3A_58 : f32 to vector<16xf32>
    %broadcast_in_dim3A_60 = arith.constant 0 : i32
    %broadcast_in_dim3A_61 = vector.broadcast %broadcast_in_dim3A_60 : i32 to vector<16xi32>
    %scan3A_62 = arith.constant 0 : i32
    %scan3A_63 = arith.constant 0 : i32
    %scan3A_64 = arith.constant 88 : i32
    %scan3A_65 = arith.addi %scan3A_63, %scan3A_64 : i32
    %scan3A_66 = arith.constant 1 : i32
    scf.for %scan3A_88 = %scan3A_63 to %scan3A_65 step %scan3A_66  : i32 {
      %mul3A_89 = arith.constant 16 : i32
      %mul3A_90 = arith.muli %scan3A_88, %mul3A_89 : i32
      %get3A = arith.index_cast %mul3A_90 : i32 to index
      %get3A_91 = tpu.vector_load %arg14[%get3A] {strides = array<i32>} : memref<1408xi32, #tpu.memory_space<vmem>>, vector<16xi32>,
      %get3A_92 = vector.shape_cast %get3A_91 : vector<16xi32> to vector<16xi32>
      %slice3A = vector.extract_strided_slice %get3A_92 {offsets = [0], sizes = [1], strides = [1]} : vector<16xi32> to vector<1xi32>
      %squeeze3A = vector.extract %slice3A[0] : i32 from vector<1xi32>
      %slice3A_93 = vector.extract_strided_slice %get3A_92 {offsets = [1], sizes = [1], strides = [1]} : vector<16xi32> to vector<1xi32>
      %squeeze3A_94 = vector.extract %slice3A_93[0] : i32 from vector<1xi32>
      %or3A = arith.ori %squeeze3A, %squeeze3A_94 : i32
      %eq3A_95 = arith.constant 0 : i32
      %eq3A_96 = arith.cmpi eq, %or3A, %eq3A_95 : i32
      %convert_element_type3A_97 = arith.extui %eq3A_96 : i1 to i32
      %cond3A_98 = arith.constant 0 : i32
      %cond3A_99 = arith.cmpi ne, %convert_element_type3A_97, %cond3A_98 : i32
      scf.if %cond3A_99 {
        %swap3A = arith.index_cast %mul3A_90 : i32 to index
        %swap3A_106 = tpu.vector_load %arg16[%swap3A] {strides = array<i32>} : memref<1408xf32, #tpu.memory_space<vmem>>, vector<16xf32>,
        %swap3A_107 = vector.shape_cast %swap3A_106 : vector<16xf32> to vector<16xf32>
        %swap3A_108 = vector.shape_cast %broadcast_in_dim3A_59 : vector<16xf32> to vector<16xf32>
        tpu.vector_store %arg16[%swap3A], %swap3A_108 {strides = array<i32>} : memref<1408xf32, #tpu.memory_space<vmem>>, vector<16xf32>,
        %swap3A_109 = arith.index_cast %mul3A_90 : i32 to index
        %swap3A_110 = tpu.vector_load %arg15[%swap3A_109] {strides = array<i32>} : memref<1408xi32, #tpu.memory_space<vmem>>, vector<16xi32>,
        %swap3A_111 = vector.shape_cast %swap3A_110 : vector<16xi32> to vector<16xi32>
        %swap3A_112 = vector.shape_cast %broadcast_in_dim3A_61 : vector<16xi32> to vector<16xi32>
        tpu.vector_store %arg15[%swap3A_109], %swap3A_112 {strides = array<i32>} : memref<1408xi32, #tpu.memory_space<vmem>>, vector<16xi32>,
        %swap3A_113 = arith.index_cast %mul3A_90 : i32 to index
        %swap3A_114 = tpu.vector_load %arg17[%swap3A_113] {strides = array<i32>} : memref<1408xf32, #tpu.memory_space<vmem>>, vector<16xf32>,
        %swap3A_115 = vector.shape_cast %swap3A_114 : vector<16xf32> to vector<16xf32>
        %swap3A_116 = vector.shape_cast %broadcast_in_dim3A_59 : vector<16xf32> to vector<16xf32>
        tpu.vector_store %arg17[%swap3A_113], %swap3A_116 {strides = array<i32>} : memref<1408xf32, #tpu.memory_space<vmem>>, vector<16xf32>,
        %swap3A_117 = arith.index_cast %mul3A_90 : i32 to index
        %swap3A_118 = tpu.vector_load %arg18[%swap3A_117] {strides = array<i32>} : memref<1408xf32, #tpu.memory_space<vmem>>, vector<16xf32>,
        %swap3A_119 = vector.shape_cast %swap3A_118 : vector<16xf32> to vector<16xf32>
        %swap3A_120 = vector.shape_cast %broadcast_in_dim3A_59 : vector<16xf32> to vector<16xf32>
        tpu.vector_store %arg18[%swap3A_117], %swap3A_120 {strides = array<i32>} : memref<1408xf32, #tpu.memory_space<vmem>>, vector<16xf32>,
        %swap3A_121 = arith.index_cast %mul3A_90 : i32 to index
        %swap3A_122 = tpu.vector_load %arg19[%swap3A_121] {strides = array<i32>} : memref<1408xf32, #tpu.memory_space<vmem>>, vector<16xf32>,
        %swap3A_123 = vector.shape_cast %swap3A_122 : vector<16xf32> to vector<16xf32>
        %swap3A_124 = vector.shape_cast %broadcast_in_dim3A_59 : vector<16xf32> to vector<16xf32>
        tpu.vector_store %arg19[%swap3A_121], %swap3A_124 {strides = array<i32>} : memref<1408xf32, #tpu.memory_space<vmem>>, vector<16xf32>,
        %swap3A_125 = arith.index_cast %mul3A_90 : i32 to index
        %swap3A_126 = tpu.vector_load %arg20[%swap3A_125] {strides = array<i32>} : memref<1408xf32, #tpu.memory_space<vmem>>, vector<16xf32>,
        %swap3A_127 = vector.shape_cast %swap3A_126 : vector<16xf32> to vector<16xf32>
        %swap3A_128 = vector.shape_cast %broadcast_in_dim3A_59 : vector<16xf32> to vector<16xf32>
        tpu.vector_store %arg20[%swap3A_125], %swap3A_128 {strides = array<i32>} : memref<1408xf32, #tpu.memory_space<vmem>>, vector<16xf32>,
      } else {
      }
      %or3A_100 = arith.ori %squeeze3A, %squeeze3A_94 : i32
      %ne3A_101 = arith.constant 0 : i32
      %ne3A_102 = arith.cmpi ne, %or3A_100, %ne3A_101 : i32
      %convert_element_type3A_103 = arith.extui %ne3A_102 : i1 to i32
      %cond3A_104 = arith.constant 0 : i32
      %cond3A_105 = arith.cmpi ne, %convert_element_type3A_103, %cond3A_104 : i32
      scf.if %cond3A_105 {
        %mul3A_106 = arith.constant 16 : i32
        %mul3A_107 = arith.muli %scan3A_88, %mul3A_106 : i32
        %get3A_108 = arith.index_cast %mul3A_107 : i32 to index
        %get3A_109 = tpu.vector_load %arg9[%get3A_108] {strides = array<i32>} : memref<7040xf32, #tpu.memory_space<vmem>>, vector<16xf32>,
        %get3A_110 = vector.shape_cast %get3A_109 : vector<16xf32> to vector<16xf32>
        %mul3A_111 = arith.constant 16 : i32
        %mul3A_112 = arith.muli %scan3A_88, %mul3A_111 : i32
        %add3A_113 = arith.constant 1408 : i32
        %add3A_114 = arith.addi %add3A_113, %mul3A_112 : i32
        %get3A_115 = arith.index_cast %add3A_114 : i32 to index
        %get3A_116 = tpu.vector_load %arg9[%get3A_115] {strides = array<i32>} : memref<7040xf32, #tpu.memory_space<vmem>>, vector<16xf32>,
        %get3A_117 = vector.shape_cast %get3A_116 : vector<16xf32> to vector<16xf32>
        %mul3A_118 = arith.constant 16 : i32
        %mul3A_119 = arith.muli %scan3A_88, %mul3A_118 : i32
        %add3A_120 = arith.constant 2816 : i32
        %add3A_121 = arith.addi %add3A_120, %mul3A_119 : i32
        %get3A_122 = arith.index_cast %add3A_121 : i32 to index
        %get3A_123 = tpu.vector_load %arg9[%get3A_122] {strides = array<i32>} : memref<7040xf32, #tpu.memory_space<vmem>>, vector<16xf32>,
        %get3A_124 = vector.shape_cast %get3A_123 : vector<16xf32> to vector<16xf32>
        %mul3A_125 = arith.constant 16 : i32
        %mul3A_126 = arith.muli %scan3A_88, %mul3A_125 : i32
        %add3A_127 = arith.constant 4224 : i32
        %add3A_128 = arith.addi %add3A_127, %mul3A_126 : i32
        %get3A_129 = arith.index_cast %add3A_128 : i32 to index
        %get3A_130 = tpu.vector_load %arg9[%get3A_129] {strides = array<i32>} : memref<7040xf32, #tpu.memory_space<vmem>>, vector<16xf32>,
        %get3A_131 = vector.shape_cast %get3A_130 : vector<16xf32> to vector<16xf32>
        %mul3A_132 = arith.constant 16 : i32
        %mul3A_133 = arith.muli %scan3A_88, %mul3A_132 : i32
        %add3A_134 = arith.constant 5632 : i32
        %add3A_135 = arith.addi %add3A_134, %mul3A_133 : i32
        %get3A_136 = arith.index_cast %add3A_135 : i32 to index
        %get3A_137 = tpu.vector_load %arg9[%get3A_136] {strides = array<i32>} : memref<7040xf32, #tpu.memory_space<vmem>>, vector<16xf32>,
        %get3A_138 = vector.shape_cast %get3A_137 : vector<16xf32> to vector<16xf32>
        %broadcast_in_dim3A_139 = arith.constant 0.000000e+00 : f32
        %broadcast_in_dim3A_140 = vector.broadcast %broadcast_in_dim3A_139 : f32 to vector<16xf32>
        %broadcast_in_dim3A_141 = arith.constant 2.000000e+08 : f32
        %broadcast_in_dim3A_142 = vector.broadcast %broadcast_in_dim3A_141 : f32 to vector<16xf32>
        %shift_right_logical3A = arith.constant 1 : i32
        %shift_right_logical3A_143 = arith.shrui %squeeze3A, %shift_right_logical3A : i32
        %and3A_144 = arith.constant 1431655765 : i32
        %and3A_145 = arith.andi %shift_right_logical3A_143, %and3A_144 : i32
        %sub3A_146 = arith.subi %squeeze3A, %and3A_145 : i32
        %and3A_147 = arith.constant 858993459 : i32
        %and3A_148 = arith.andi %sub3A_146, %and3A_147 : i32
        %shift_right_logical3A_149 = arith.constant 2 : i32
        %shift_right_logical3A_150 = arith.shrui %sub3A_146, %shift_right_logical3A_149 : i32
        %and3A_151 = arith.constant 858993459 : i32
        %and3A_152 = arith.andi %shift_right_logical3A_150, %and3A_151 : i32
        %add3A_153 = arith.addi %and3A_148, %and3A_152 : i32
        %shift_right_logical3A_154 = arith.constant 4 : i32
        %shift_right_logical3A_155 = arith.shrui %add3A_153, %shift_right_logical3A_154 : i32
        %add3A_156 = arith.addi %add3A_153, %shift_right_logical3A_155 : i32
        %and3A_157 = arith.constant 252645135 : i32
        %and3A_158 = arith.andi %add3A_156, %and3A_157 : i32
        %mul3A_159 = arith.constant 16843009 : i32
        %mul3A_160 = arith.muli %and3A_158, %mul3A_159 : i32
        %shift_right_logical3A_161 = arith.constant 24 : i32
        %shift_right_logical3A_162 = arith.shrui %mul3A_160, %shift_right_logical3A_161 : i32
        %shift_right_logical3A_163 = arith.constant 1 : i32
        %shift_right_logical3A_164 = arith.shrui %squeeze3A_94, %shift_right_logical3A_163 : i32
        %and3A_165 = arith.constant 1431655765 : i32
        %and3A_166 = arith.andi %shift_right_logical3A_164, %and3A_165 : i32
        %sub3A_167 = arith.subi %squeeze3A_94, %and3A_166 : i32
        %and3A_168 = arith.constant 858993459 : i32
        %and3A_169 = arith.andi %sub3A_167, %and3A_168 : i32
        %shift_right_logical3A_170 = arith.constant 2 : i32
        %shift_right_logical3A_171 = arith.shrui %sub3A_167, %shift_right_logical3A_170 : i32
        %and3A_172 = arith.constant 858993459 : i32
        %and3A_173 = arith.andi %shift_right_logical3A_171, %and3A_172 : i32
        %add3A_174 = arith.addi %and3A_169, %and3A_173 : i32
        %shift_right_logical3A_175 = arith.constant 4 : i32
        %shift_right_logical3A_176 = arith.shrui %add3A_174, %shift_right_logical3A_175 : i32
        %add3A_177 = arith.addi %add3A_174, %shift_right_logical3A_176 : i32
        %and3A_178 = arith.constant 252645135 : i32
        %and3A_179 = arith.andi %add3A_177, %and3A_178 : i32
        %mul3A_180 = arith.constant 16843009 : i32
        %mul3A_181 = arith.muli %and3A_179, %mul3A_180 : i32
        %shift_right_logical3A_182 = arith.constant 24 : i32
        %shift_right_logical3A_183 = arith.shrui %mul3A_181, %shift_right_logical3A_182 : i32
        %add3A_184 = arith.addi %shift_right_logical3A_162, %shift_right_logical3A_183 : i32
        %while3A = arith.constant 0 : i32
        %while3A_185 = arith.subi %add3A_184, %while3A : i32
        %while3A_186 = arith.addi %while3A, %while3A_185 : i32
        %while3A_187 = arith.constant 1 : i32
        %while3A_188 = arith.divsi %while3A_185, %while3A_187 : i32
        %while3A_189 = arith.muli %while3A_188, %while3A_187 : i32
        %while3A_190 = arith.addi %while3A, %while3A_189 : i32
        %while3A_191 = arith.constant 1 : i32
        %while3A_192:8 = scf.for %while3A_284 = %while3A to %while3A_190 step %while3A_191 iter_args(%while3A_285 = %squeeze3A, %while3A_286 = %squeeze3A_94, %while3A_287 = %broadcast_in_dim3A_142, %while3A_288 = %broadcast_in_dim3A_140, %while3A_289 = %broadcast_in_dim3A_140, %while3A_290 = %broadcast_in_dim3A_140, %while3A_291 = %broadcast_in_dim3A_140, %while3A_292 = %broadcast_in_dim3A_61) -> (i32, i32, vector<16xf32>, vector<16xf32>, vector<16xf32>, vector<16xf32>, vector<16xf32>, vector<16xi32>)  : i32 {
          %ne3A_293 = arith.constant 0 : i32
          %ne3A_294 = arith.cmpi ne, %while3A_285, %ne3A_293 : i32
          %select_n3A_295 = arith.select %ne3A_294, %while3A_285, %while3A_286 : i32
          %neg3A = arith.constant 0 : i32
          %neg3A_296 = arith.subi %neg3A, %select_n3A_295 : i32
          %and3A_297 = arith.andi %select_n3A_295, %neg3A_296 : i32
          %convert_element_type3A_298 = arith.sitofp %and3A_297 : i32 to f32
          %bitcast_convert_type3A_299 = arith.bitcast %convert_element_type3A_298 : f32 to i32
          %shift_right_arithmetic3A_300 = arith.constant 23 : i32
          %shift_right_arithmetic3A_301 = arith.shrsi %bitcast_convert_type3A_299, %shift_right_arithmetic3A_300 : i32
          %and3A_302 = arith.constant 255 : i32
          %and3A_303 = arith.andi %shift_right_arithmetic3A_301, %and3A_302 : i32
          %sub3A_304 = arith.constant 127 : i32
          %sub3A_305 = arith.subi %and3A_303, %sub3A_304 : i32
          %jit3A_306 = arith.constant 0 : i32
          %jit3A_307 = arith.constant 512 : i32
          %select_n3A_308 = arith.select %ne3A_294, %jit3A_306, %jit3A_307 : i32
          %mul3A_309 = arith.constant 16 : i32
          %mul3A_310 = arith.muli %sub3A_305, %mul3A_309 : i32
          %add3A_311 = arith.addi %mul3A_310, %select_n3A_308 : i32
          %get3A_312 = arith.index_cast %add3A_311 : i32 to index
          %get3A_313 = tpu.vector_load %arg12[%get3A_312] {strides = array<i32>} : memref<6144xf32, #tpu.memory_space<vmem>>, vector<16xf32>,
          %get3A_314 = vector.shape_cast %get3A_313 : vector<16xf32> to vector<16xf32>
          %add3A_315 = arith.constant 1024 : i32
          %add3A_316 = arith.addi %add3A_311, %add3A_315 : i32
          %get3A_317 = arith.index_cast %add3A_316 : i32 to index
          %get3A_318 = tpu.vector_load %arg12[%get3A_317] {strides = array<i32>} : memref<6144xf32, #tpu.memory_space<vmem>>, vector<16xf32>,
          %get3A_319 = vector.shape_cast %get3A_318 : vector<16xf32> to vector<16xf32>
          %add3A_320 = arith.constant 2048 : i32
          %add3A_321 = arith.addi %add3A_311, %add3A_320 : i32
          %get3A_322 = arith.index_cast %add3A_321 : i32 to index
          %get3A_323 = tpu.vector_load %arg12[%get3A_322] {strides = array<i32>} : memref<6144xf32, #tpu.memory_space<vmem>>, vector<16xf32>,
          %get3A_324 = vector.shape_cast %get3A_323 : vector<16xf32> to vector<16xf32>
          %add3A_325 = arith.constant 3072 : i32
          %add3A_326 = arith.addi %add3A_311, %add3A_325 : i32
          %get3A_327 = arith.index_cast %add3A_326 : i32 to index
          %get3A_328 = tpu.vector_load %arg12[%get3A_327] {strides = array<i32>} : memref<6144xf32, #tpu.memory_space<vmem>>, vector<16xf32>,
          %get3A_329 = vector.shape_cast %get3A_328 : vector<16xf32> to vector<16xf32>
          %add3A_330 = arith.constant 4096 : i32
          %add3A_331 = arith.addi %add3A_311, %add3A_330 : i32
          %get3A_332 = arith.index_cast %add3A_331 : i32 to index
          %get3A_333 = tpu.vector_load %arg12[%get3A_332] {strides = array<i32>} : memref<6144xf32, #tpu.memory_space<vmem>>, vector<16xf32>,
          %get3A_334 = vector.shape_cast %get3A_333 : vector<16xf32> to vector<16xf32>
          %add3A_335 = arith.constant 5120 : i32
          %add3A_336 = arith.addi %add3A_311, %add3A_335 : i32
          %get3A_337 = arith.index_cast %add3A_336 : i32 to index
          %get3A_338 = tpu.vector_load %arg12[%get3A_337] {strides = array<i32>} : memref<6144xf32, #tpu.memory_space<vmem>>, vector<16xf32>,
          %get3A_339 = vector.shape_cast %get3A_338 : vector<16xf32> to vector<16xf32>
          %get3A_340 = arith.index_cast %add3A_311 : i32 to index
          %get3A_341 = tpu.vector_load %arg13[%get3A_340] {strides = array<i32>} : memref<1024xi32, #tpu.memory_space<vmem>>, vector<16xi32>,
          %get3A_342 = vector.shape_cast %get3A_341 : vector<16xi32> to vector<16xi32>
          %sub3A_343 = arith.subf %get3A_110, %get3A_314 : vector<16xf32>
          %sub3A_344 = arith.subf %get3A_117, %get3A_319 : vector<16xf32>
          %sub3A_345 = arith.subf %get3A_324, %get3A_110 : vector<16xf32>
          %sub3A_346 = arith.subf %get3A_329, %get3A_117 : vector<16xf32>
          %add3A_347 = arith.addf %sub3A_343, %sub3A_345 : vector<16xf32>
          %add3A_348 = arith.addf %sub3A_344, %sub3A_346 : vector<16xf32>
          %mul3A_349 = arith.mulf %add3A_347, %add3A_348 : vector<16xf32>
          %min3A_350 = arith.minimumf %sub3A_343, %sub3A_344 : vector<16xf32>
          %min3A_351 = arith.minimumf %sub3A_345, %sub3A_346 : vector<16xf32>
          %min3A_352 = arith.minimumf %min3A_350, %min3A_351 : vector<16xf32>
          %max3A_353 = arith.maximumf %sub3A_343, %sub3A_344 : vector<16xf32>
          %max3A_354 = arith.maximumf %sub3A_345, %sub3A_346 : vector<16xf32>
          %max3A_355 = arith.maximumf %max3A_353, %max3A_354 : vector<16xf32>
          %sub3A_356 = arith.subf %get3A_110, %get3A_334 : vector<16xf32>
          %abs3A = math.absf %sub3A_356 : vector<16xf32>
          %sub3A_357 = arith.subf %get3A_117, %get3A_339 : vector<16xf32>
          %abs3A_358 = math.absf %sub3A_357 : vector<16xf32>
          %max3A_359 = arith.maximumf %abs3A, %abs3A_358 : vector<16xf32>
          %gt3A = arith.constant 0.000000e+00 : f32
          %gt3A_360 = vector.broadcast %gt3A : f32 to vector<16xf32>
          %gt3A_361 = arith.cmpf ogt, %min3A_352, %gt3A_360 : vector<16xf32>
          %gt3A_362 = arith.cmpf ogt, %max3A_355, %get3A_124 : vector<16xf32>
          %and3A_363 = arith.andi %gt3A_361, %gt3A_362 : vector<16xi1>
          %le3A = arith.cmpf ole, %max3A_355, %get3A_131 : vector<16xf32>
          %and3A_364 = arith.andi %and3A_363, %le3A : vector<16xi1>
          %lt3A_365 = arith.cmpf olt, %max3A_359, %get3A_138 : vector<16xf32>
          %and3A_366 = arith.andi %and3A_364, %lt3A_365 : vector<16xi1>
          %select_n3A_367 = arith.select %and3A_366, %mul3A_349, %broadcast_in_dim3A_57 : vector<16xi1>, vector<16xf32>
          %lt3A_368 = arith.cmpf olt, %select_n3A_367, %while3A_287 : vector<16xf32>
          %select_n3A_369 = arith.select %lt3A_368, %select_n3A_367, %while3A_287 : vector<16xi1>, vector<16xf32>
          %select_n3A_370 = arith.select %lt3A_368, %sub3A_343, %while3A_288 : vector<16xi1>, vector<16xf32>
          %select_n3A_371 = arith.select %lt3A_368, %sub3A_344, %while3A_289 : vector<16xi1>, vector<16xf32>
          %select_n3A_372 = arith.select %lt3A_368, %sub3A_345, %while3A_290 : vector<16xi1>, vector<16xf32>
          %select_n3A_373 = arith.select %lt3A_368, %sub3A_346, %while3A_291 : vector<16xi1>, vector<16xf32>
          %select_n3A_374 = arith.select %lt3A_368, %get3A_342, %while3A_292 : vector<16xi1>, vector<16xi32>
          %xor3A = arith.xori %while3A_285, %and3A_297 : i32
          %select_n3A_375 = arith.select %ne3A_294, %xor3A, %while3A_285 : i32
          %xor3A_376 = arith.xori %while3A_286, %and3A_297 : i32
          %select_n3A_377 = arith.select %ne3A_294, %while3A_286, %xor3A_376 : i32
          scf.yield %select_n3A_375, %select_n3A_377, %select_n3A_369, %select_n3A_370, %select_n3A_371, %select_n3A_372, %select_n3A_373, %select_n3A_374 : i32, i32, vector<16xf32>, vector<16xf32>, vector<16xf32>, vector<16xf32>, vector<16xf32>, vector<16xi32>
        }
        %while3A_193 = arith.constant 1 : i32
        %while3A_194:8 = scf.for %while3A_284 = %while3A_190 to %while3A_186 step %while3A_193 iter_args(%while3A_285 = %while3A_192#0, %while3A_286 = %while3A_192#1, %while3A_287 = %while3A_192#2, %while3A_288 = %while3A_192#3, %while3A_289 = %while3A_192#4, %while3A_290 = %while3A_192#5, %while3A_291 = %while3A_192#6, %while3A_292 = %while3A_192#7) -> (i32, i32, vector<16xf32>, vector<16xf32>, vector<16xf32>, vector<16xf32>, vector<16xf32>, vector<16xi32>)  : i32 {
          %ne3A_293 = arith.constant 0 : i32
          %ne3A_294 = arith.cmpi ne, %while3A_285, %ne3A_293 : i32
          %select_n3A_295 = arith.select %ne3A_294, %while3A_285, %while3A_286 : i32
          %neg3A = arith.constant 0 : i32
          %neg3A_296 = arith.subi %neg3A, %select_n3A_295 : i32
          %and3A_297 = arith.andi %select_n3A_295, %neg3A_296 : i32
          %convert_element_type3A_298 = arith.sitofp %and3A_297 : i32 to f32
          %bitcast_convert_type3A_299 = arith.bitcast %convert_element_type3A_298 : f32 to i32
          %shift_right_arithmetic3A_300 = arith.constant 23 : i32
          %shift_right_arithmetic3A_301 = arith.shrsi %bitcast_convert_type3A_299, %shift_right_arithmetic3A_300 : i32
          %and3A_302 = arith.constant 255 : i32
          %and3A_303 = arith.andi %shift_right_arithmetic3A_301, %and3A_302 : i32
          %sub3A_304 = arith.constant 127 : i32
          %sub3A_305 = arith.subi %and3A_303, %sub3A_304 : i32
          %jit3A_306 = arith.constant 0 : i32
          %jit3A_307 = arith.constant 512 : i32
          %select_n3A_308 = arith.select %ne3A_294, %jit3A_306, %jit3A_307 : i32
          %mul3A_309 = arith.constant 16 : i32
          %mul3A_310 = arith.muli %sub3A_305, %mul3A_309 : i32
          %add3A_311 = arith.addi %mul3A_310, %select_n3A_308 : i32
          %get3A_312 = arith.index_cast %add3A_311 : i32 to index
          %get3A_313 = tpu.vector_load %arg12[%get3A_312] {strides = array<i32>} : memref<6144xf32, #tpu.memory_space<vmem>>, vector<16xf32>,
          %get3A_314 = vector.shape_cast %get3A_313 : vector<16xf32> to vector<16xf32>
          %add3A_315 = arith.constant 1024 : i32
          %add3A_316 = arith.addi %add3A_311, %add3A_315 : i32
          %get3A_317 = arith.index_cast %add3A_316 : i32 to index
          %get3A_318 = tpu.vector_load %arg12[%get3A_317] {strides = array<i32>} : memref<6144xf32, #tpu.memory_space<vmem>>, vector<16xf32>,
          %get3A_319 = vector.shape_cast %get3A_318 : vector<16xf32> to vector<16xf32>
          %add3A_320 = arith.constant 2048 : i32
          %add3A_321 = arith.addi %add3A_311, %add3A_320 : i32
          %get3A_322 = arith.index_cast %add3A_321 : i32 to index
          %get3A_323 = tpu.vector_load %arg12[%get3A_322] {strides = array<i32>} : memref<6144xf32, #tpu.memory_space<vmem>>, vector<16xf32>,
          %get3A_324 = vector.shape_cast %get3A_323 : vector<16xf32> to vector<16xf32>
          %add3A_325 = arith.constant 3072 : i32
          %add3A_326 = arith.addi %add3A_311, %add3A_325 : i32
          %get3A_327 = arith.index_cast %add3A_326 : i32 to index
          %get3A_328 = tpu.vector_load %arg12[%get3A_327] {strides = array<i32>} : memref<6144xf32, #tpu.memory_space<vmem>>, vector<16xf32>,
          %get3A_329 = vector.shape_cast %get3A_328 : vector<16xf32> to vector<16xf32>
          %add3A_330 = arith.constant 4096 : i32
          %add3A_331 = arith.addi %add3A_311, %add3A_330 : i32
          %get3A_332 = arith.index_cast %add3A_331 : i32 to index
          %get3A_333 = tpu.vector_load %arg12[%get3A_332] {strides = array<i32>} : memref<6144xf32, #tpu.memory_space<vmem>>, vector<16xf32>,
          %get3A_334 = vector.shape_cast %get3A_333 : vector<16xf32> to vector<16xf32>
          %add3A_335 = arith.constant 5120 : i32
          %add3A_336 = arith.addi %add3A_311, %add3A_335 : i32
          %get3A_337 = arith.index_cast %add3A_336 : i32 to index
          %get3A_338 = tpu.vector_load %arg12[%get3A_337] {strides = array<i32>} : memref<6144xf32, #tpu.memory_space<vmem>>, vector<16xf32>,
          %get3A_339 = vector.shape_cast %get3A_338 : vector<16xf32> to vector<16xf32>
          %get3A_340 = arith.index_cast %add3A_311 : i32 to index
          %get3A_341 = tpu.vector_load %arg13[%get3A_340] {strides = array<i32>} : memref<1024xi32, #tpu.memory_space<vmem>>, vector<16xi32>,
          %get3A_342 = vector.shape_cast %get3A_341 : vector<16xi32> to vector<16xi32>
          %sub3A_343 = arith.subf %get3A_110, %get3A_314 : vector<16xf32>
          %sub3A_344 = arith.subf %get3A_117, %get3A_319 : vector<16xf32>
          %sub3A_345 = arith.subf %get3A_324, %get3A_110 : vector<16xf32>
          %sub3A_346 = arith.subf %get3A_329, %get3A_117 : vector<16xf32>
          %add3A_347 = arith.addf %sub3A_343, %sub3A_345 : vector<16xf32>
          %add3A_348 = arith.addf %sub3A_344, %sub3A_346 : vector<16xf32>
          %mul3A_349 = arith.mulf %add3A_347, %add3A_348 : vector<16xf32>
          %min3A_350 = arith.minimumf %sub3A_343, %sub3A_344 : vector<16xf32>
          %min3A_351 = arith.minimumf %sub3A_345, %sub3A_346 : vector<16xf32>
          %min3A_352 = arith.minimumf %min3A_350, %min3A_351 : vector<16xf32>
          %max3A_353 = arith.maximumf %sub3A_343, %sub3A_344 : vector<16xf32>
          %max3A_354 = arith.maximumf %sub3A_345, %sub3A_346 : vector<16xf32>
          %max3A_355 = arith.maximumf %max3A_353, %max3A_354 : vector<16xf32>
          %sub3A_356 = arith.subf %get3A_110, %get3A_334 : vector<16xf32>
          %abs3A = math.absf %sub3A_356 : vector<16xf32>
          %sub3A_357 = arith.subf %get3A_117, %get3A_339 : vector<16xf32>
          %abs3A_358 = math.absf %sub3A_357 : vector<16xf32>
          %max3A_359 = arith.maximumf %abs3A, %abs3A_358 : vector<16xf32>
          %gt3A = arith.constant 0.000000e+00 : f32
          %gt3A_360 = vector.broadcast %gt3A : f32 to vector<16xf32>
          %gt3A_361 = arith.cmpf ogt, %min3A_352, %gt3A_360 : vector<16xf32>
          %gt3A_362 = arith.cmpf ogt, %max3A_355, %get3A_124 : vector<16xf32>
          %and3A_363 = arith.andi %gt3A_361, %gt3A_362 : vector<16xi1>
          %le3A = arith.cmpf ole, %max3A_355, %get3A_131 : vector<16xf32>
          %and3A_364 = arith.andi %and3A_363, %le3A : vector<16xi1>
          %lt3A_365 = arith.cmpf olt, %max3A_359, %get3A_138 : vector<16xf32>
          %and3A_366 = arith.andi %and3A_364, %lt3A_365 : vector<16xi1>
          %select_n3A_367 = arith.select %and3A_366, %mul3A_349, %broadcast_in_dim3A_57 : vector<16xi1>, vector<16xf32>
          %lt3A_368 = arith.cmpf olt, %select_n3A_367, %while3A_287 : vector<16xf32>
          %select_n3A_369 = arith.select %lt3A_368, %select_n3A_367, %while3A_287 : vector<16xi1>, vector<16xf32>
          %select_n3A_370 = arith.select %lt3A_368, %sub3A_343, %while3A_288 : vector<16xi1>, vector<16xf32>
          %select_n3A_371 = arith.select %lt3A_368, %sub3A_344, %while3A_289 : vector<16xi1>, vector<16xf32>
          %select_n3A_372 = arith.select %lt3A_368, %sub3A_345, %while3A_290 : vector<16xi1>, vector<16xf32>
          %select_n3A_373 = arith.select %lt3A_368, %sub3A_346, %while3A_291 : vector<16xi1>, vector<16xf32>
          %select_n3A_374 = arith.select %lt3A_368, %get3A_342, %while3A_292 : vector<16xi1>, vector<16xi32>
          %xor3A = arith.xori %while3A_285, %and3A_297 : i32
          %select_n3A_375 = arith.select %ne3A_294, %xor3A, %while3A_285 : i32
          %xor3A_376 = arith.xori %while3A_286, %and3A_297 : i32
          %select_n3A_377 = arith.select %ne3A_294, %while3A_286, %xor3A_376 : i32
          scf.yield %select_n3A_375, %select_n3A_377, %select_n3A_369, %select_n3A_370, %select_n3A_371, %select_n3A_372, %select_n3A_373, %select_n3A_374 : i32, i32, vector<16xf32>, vector<16xf32>, vector<16xf32>, vector<16xf32>, vector<16xf32>, vector<16xi32>
        }
        %lt3A_195 = arith.cmpf olt, %while3A_194#2, %broadcast_in_dim3A_57 : vector<16xf32>
        %min3A = arith.minimumf %while3A_194#3, %while3A_194#5 : vector<16xf32>
        %max3A = arith.maximumf %while3A_194#3, %while3A_194#5 : vector<16xf32>
        %min3A_196 = arith.minimumf %while3A_194#4, %while3A_194#6 : vector<16xf32>
        %max3A_197 = arith.maximumf %while3A_194#4, %while3A_194#6 : vector<16xf32>
        %mul3A_198 = arith.mulf %min3A, %min3A_196 : vector<16xf32>
        %mul3A_199 = arith.mulf %max3A, %max3A_197 : vector<16xf32>
        %add3A_200 = arith.constant 1.000000e-10 : f32
        %add3A_201 = vector.broadcast %add3A_200 : f32 to vector<16xf32>
        %add3A_202 = arith.addf %mul3A_199, %add3A_201 : vector<16xf32>
        %bitcast_convert_type3A = tpu.bitcast %mul3A_198 : vector<16xf32> -> vector<16xi32>
        %shift_right_arithmetic3A = arith.constant 1 : i32
        %shift_right_arithmetic3A_203 = vector.broadcast %shift_right_arithmetic3A : i32 to vector<16xi32>
        %shift_right_arithmetic3A_204 = arith.shrsi %bitcast_convert_type3A, %shift_right_arithmetic3A_203 : vector<16xi32>
        %sub3A_205 = arith.constant 1597463007 : i32
        %sub3A_206 = vector.broadcast %sub3A_205 : i32 to vector<16xi32>
        %sub3A_207 = arith.subi %sub3A_206, %shift_right_arithmetic3A_204 : vector<16xi32>
        %bitcast_convert_type3A_208 = tpu.bitcast %sub3A_207 : vector<16xi32> -> vector<16xf32>
        %mul3A_209 = arith.constant 5.000000e-01 : f32
        %mul3A_210 = vector.broadcast %mul3A_209 : f32 to vector<16xf32>
        %mul3A_211 = arith.mulf %mul3A_210, %mul3A_198 : vector<16xf32>
        %mul3A_212 = arith.mulf %mul3A_211, %bitcast_convert_type3A_208 : vector<16xf32>
        %mul3A_213 = arith.mulf %mul3A_212, %bitcast_convert_type3A_208 : vector<16xf32>
        %sub3A_214 = arith.constant 1.500000e+00 : f32
        %sub3A_215 = vector.broadcast %sub3A_214 : f32 to vector<16xf32>
        %sub3A_216 = arith.subf %sub3A_215, %mul3A_213 : vector<16xf32>
        %mul3A_217 = arith.mulf %bitcast_convert_type3A_208, %sub3A_216 : vector<16xf32>
        %mul3A_218 = arith.constant 5.000000e-01 : f32
        %mul3A_219 = vector.broadcast %mul3A_218 : f32 to vector<16xf32>
        %mul3A_220 = arith.mulf %mul3A_219, %mul3A_198 : vector<16xf32>
        %mul3A_221 = arith.mulf %mul3A_220, %mul3A_217 : vector<16xf32>
        %mul3A_222 = arith.mulf %mul3A_221, %mul3A_217 : vector<16xf32>
        %sub3A_223 = arith.constant 1.500000e+00 : f32
        %sub3A_224 = vector.broadcast %sub3A_223 : f32 to vector<16xf32>
        %sub3A_225 = arith.subf %sub3A_224, %mul3A_222 : vector<16xf32>
        %mul3A_226 = arith.mulf %mul3A_217, %sub3A_225 : vector<16xf32>
        %mul3A_227 = arith.mulf %mul3A_198, %mul3A_226 : vector<16xf32>
        %bitcast_convert_type3A_228 = tpu.bitcast %add3A_202 : vector<16xf32> -> vector<16xi32>
        %shift_right_arithmetic3A_229 = arith.constant 1 : i32
        %shift_right_arithmetic3A_230 = vector.broadcast %shift_right_arithmetic3A_229 : i32 to vector<16xi32>
        %shift_right_arithmetic3A_231 = arith.shrsi %bitcast_convert_type3A_228, %shift_right_arithmetic3A_230 : vector<16xi32>
        %sub3A_232 = arith.constant 1597463007 : i32
        %sub3A_233 = vector.broadcast %sub3A_232 : i32 to vector<16xi32>
        %sub3A_234 = arith.subi %sub3A_233, %shift_right_arithmetic3A_231 : vector<16xi32>
        %bitcast_convert_type3A_235 = tpu.bitcast %sub3A_234 : vector<16xi32> -> vector<16xf32>
        %mul3A_236 = arith.constant 5.000000e-01 : f32
        %mul3A_237 = vector.broadcast %mul3A_236 : f32 to vector<16xf32>
        %mul3A_238 = arith.mulf %mul3A_237, %add3A_202 : vector<16xf32>
        %mul3A_239 = arith.mulf %mul3A_238, %bitcast_convert_type3A_235 : vector<16xf32>
        %mul3A_240 = arith.mulf %mul3A_239, %bitcast_convert_type3A_235 : vector<16xf32>
        %sub3A_241 = arith.constant 1.500000e+00 : f32
        %sub3A_242 = vector.broadcast %sub3A_241 : f32 to vector<16xf32>
        %sub3A_243 = arith.subf %sub3A_242, %mul3A_240 : vector<16xf32>
        %mul3A_244 = arith.mulf %bitcast_convert_type3A_235, %sub3A_243 : vector<16xf32>
        %mul3A_245 = arith.constant 5.000000e-01 : f32
        %mul3A_246 = vector.broadcast %mul3A_245 : f32 to vector<16xf32>
        %mul3A_247 = arith.mulf %mul3A_246, %add3A_202 : vector<16xf32>
        %mul3A_248 = arith.mulf %mul3A_247, %mul3A_244 : vector<16xf32>
        %mul3A_249 = arith.mulf %mul3A_248, %mul3A_244 : vector<16xf32>
        %sub3A_250 = arith.constant 1.500000e+00 : f32
        %sub3A_251 = vector.broadcast %sub3A_250 : f32 to vector<16xf32>
        %sub3A_252 = arith.subf %sub3A_251, %mul3A_249 : vector<16xf32>
        %mul3A_253 = arith.mulf %mul3A_244, %sub3A_252 : vector<16xf32>
        %mul3A_254 = arith.mulf %mul3A_227, %mul3A_253 : vector<16xf32>
        %select_n3A_255 = arith.select %lt3A_195, %mul3A_254, %broadcast_in_dim3A_59 : vector<16xi1>, vector<16xf32>
        %swap3A = arith.index_cast %mul3A_90 : i32 to index
        %swap3A_256 = tpu.vector_load %arg16[%swap3A] {strides = array<i32>} : memref<1408xf32, #tpu.memory_space<vmem>>, vector<16xf32>,
        %swap3A_257 = vector.shape_cast %swap3A_256 : vector<16xf32> to vector<16xf32>
        %swap3A_258 = vector.shape_cast %select_n3A_255 : vector<16xf32> to vector<16xf32>
        tpu.vector_store %arg16[%swap3A], %swap3A_258 {strides = array<i32>} : memref<1408xf32, #tpu.memory_space<vmem>>, vector<16xf32>,
        %select_n3A_259 = arith.select %lt3A_195, %while3A_194#7, %broadcast_in_dim3A_61 : vector<16xi1>, vector<16xi32>
        %swap3A_260 = arith.index_cast %mul3A_90 : i32 to index
        %swap3A_261 = tpu.vector_load %arg15[%swap3A_260] {strides = array<i32>} : memref<1408xi32, #tpu.memory_space<vmem>>, vector<16xi32>,
        %swap3A_262 = vector.shape_cast %swap3A_261 : vector<16xi32> to vector<16xi32>
        %swap3A_263 = vector.shape_cast %select_n3A_259 : vector<16xi32> to vector<16xi32>
        tpu.vector_store %arg15[%swap3A_260], %swap3A_263 {strides = array<i32>} : memref<1408xi32, #tpu.memory_space<vmem>>, vector<16xi32>,
        %select_n3A_264 = arith.select %lt3A_195, %while3A_194#3, %broadcast_in_dim3A_59 : vector<16xi1>, vector<16xf32>
        %swap3A_265 = arith.index_cast %mul3A_90 : i32 to index
        %swap3A_266 = tpu.vector_load %arg17[%swap3A_265] {strides = array<i32>} : memref<1408xf32, #tpu.memory_space<vmem>>, vector<16xf32>,
        %swap3A_267 = vector.shape_cast %swap3A_266 : vector<16xf32> to vector<16xf32>
        %swap3A_268 = vector.shape_cast %select_n3A_264 : vector<16xf32> to vector<16xf32>
        tpu.vector_store %arg17[%swap3A_265], %swap3A_268 {strides = array<i32>} : memref<1408xf32, #tpu.memory_space<vmem>>, vector<16xf32>,
        %select_n3A_269 = arith.select %lt3A_195, %while3A_194#4, %broadcast_in_dim3A_59 : vector<16xi1>, vector<16xf32>
        %swap3A_270 = arith.index_cast %mul3A_90 : i32 to index
        %swap3A_271 = tpu.vector_load %arg18[%swap3A_270] {strides = array<i32>} : memref<1408xf32, #tpu.memory_space<vmem>>, vector<16xf32>,
        %swap3A_272 = vector.shape_cast %swap3A_271 : vector<16xf32> to vector<16xf32>
        %swap3A_273 = vector.shape_cast %select_n3A_269 : vector<16xf32> to vector<16xf32>
        tpu.vector_store %arg18[%swap3A_270], %swap3A_273 {strides = array<i32>} : memref<1408xf32, #tpu.memory_space<vmem>>, vector<16xf32>,
        %select_n3A_274 = arith.select %lt3A_195, %while3A_194#5, %broadcast_in_dim3A_59 : vector<16xi1>, vector<16xf32>
        %swap3A_275 = arith.index_cast %mul3A_90 : i32 to index
        %swap3A_276 = tpu.vector_load %arg19[%swap3A_275] {strides = array<i32>} : memref<1408xf32, #tpu.memory_space<vmem>>, vector<16xf32>,
        %swap3A_277 = vector.shape_cast %swap3A_276 : vector<16xf32> to vector<16xf32>
        %swap3A_278 = vector.shape_cast %select_n3A_274 : vector<16xf32> to vector<16xf32>
        tpu.vector_store %arg19[%swap3A_275], %swap3A_278 {strides = array<i32>} : memref<1408xf32, #tpu.memory_space<vmem>>, vector<16xf32>,
        %select_n3A_279 = arith.select %lt3A_195, %while3A_194#6, %broadcast_in_dim3A_59 : vector<16xi1>, vector<16xf32>
        %swap3A_280 = arith.index_cast %mul3A_90 : i32 to index
        %swap3A_281 = tpu.vector_load %arg20[%swap3A_280] {strides = array<i32>} : memref<1408xf32, #tpu.memory_space<vmem>>, vector<16xf32>,
        %swap3A_282 = vector.shape_cast %swap3A_281 : vector<16xf32> to vector<16xf32>
        %swap3A_283 = vector.shape_cast %select_n3A_279 : vector<16xf32> to vector<16xf32>
        tpu.vector_store %arg20[%swap3A_280], %swap3A_283 {strides = array<i32>} : memref<1408xf32, #tpu.memory_space<vmem>>, vector<16xf32>,
      } else {
      }
    }
    %scan3A_67 = arith.constant 88 : i32
    %mul3A_68 = arith.constant 5456 : i32
    %mul3A_69 = arith.muli %select_n3A, %mul3A_68 : i32
    %mul3A_70 = arith.constant 1376 : i32
    %mul3A_71 = arith.muli %select_n3A_30, %mul3A_70 : i32
    %add3A_72 = arith.addi %mul3A_69, %mul3A_71 : i32
    %mul3A_73 = arith.constant 4 : i32
    %mul3A_74 = arith.muli %select_n3A, %mul3A_73 : i32
    %mul3A_75 = arith.constant 5456 : i32
    %mul3A_76 = arith.muli %mul3A_74, %mul3A_75 : i32
    %mul3A_77 = arith.constant 1376 : i32
    %mul3A_78 = arith.muli %select_n3A_30, %mul3A_77 : i32
    %add3A_79 = arith.addi %mul3A_76, %mul3A_78 : i32
    %ne3A_80 = arith.constant 3 : i32
    %ne3A_81 = arith.cmpi ne, %select_n3A_30, %ne3A_80 : i32
    %convert_element_type3A = arith.extui %ne3A_81 : i1 to i32
    %cond3A = arith.constant 0 : i32
    %cond3A_82 = arith.cmpi ne, %convert_element_type3A, %cond3A : i32
    scf.if %cond3A_82 {
      "tpu.region"() ({
        %run_scoped3A = tpu.sem_alloc : memref<!tpu.dma_semaphore, #tpu.memory_space<semaphore_mem>>
        %dma_start3A = arith.constant 0 : i32
        %dma_start3A_94 = tpu.memref_slice %arg15[%dma_start3A] : memref<1408xi32, #tpu.memory_space<vmem>> -> memref<1376xi32, #tpu.memory_space<vmem>>
        %dma_start3A_95 = tpu.memref_slice %arg6[%add3A_72] : memref<43648xi32, #tpu.memory_space<hbm>> -> memref<1376xi32, #tpu.memory_space<hbm>>
        %dma_start3A_96 = tpu.memref_slice %arg6[%add3A_72] : memref<43648xi32, #tpu.memory_space<hbm>> -> memref<1376xi32, #tpu.memory_space<hbm>>
        %dma_start3A_97 = arith.constant 0 : i32
        %dma_start3A_98 = tpu.memref_slice %arg15[%dma_start3A_97] : memref<1408xi32, #tpu.memory_space<vmem>> -> memref<1376xi32, #tpu.memory_space<vmem>>
        tpu.enqueue_dma source(%dma_start3A_98 : memref<1376xi32, #tpu.memory_space<vmem>>) target(%dma_start3A_96 : memref<1376xi32, #tpu.memory_space<hbm>>) target_semaphore(%run_scoped3A : memref<!tpu.dma_semaphore, #tpu.memory_space<semaphore_mem>>)
        %dma_wait3A = arith.constant 0 : i32
        %dma_wait3A_99 = tpu.memref_slice %arg15[%dma_wait3A] : memref<1408xi32, #tpu.memory_space<vmem>> -> memref<1376xi32, #tpu.memory_space<vmem>>
        %dma_wait3A_100 = tpu.memref_slice %arg6[%add3A_72] : memref<43648xi32, #tpu.memory_space<hbm>> -> memref<1376xi32, #tpu.memory_space<hbm>>
        %dma_wait3A_101 = tpu.memref_slice %arg6[%add3A_72] : memref<43648xi32, #tpu.memory_space<hbm>> -> memref<1376xi32, #tpu.memory_space<hbm>>
        %dma_wait3A_102 = arith.constant 0 : i32
        %dma_wait3A_103 = tpu.memref_slice %arg15[%dma_wait3A_102] : memref<1408xi32, #tpu.memory_space<vmem>> -> memref<1376xi32, #tpu.memory_space<vmem>>
        tpu.wait_dma2 semaphore(%run_scoped3A : memref<!tpu.dma_semaphore, #tpu.memory_space<semaphore_mem>>) src(%dma_wait3A_103 : memref<1376xi32, #tpu.memory_space<vmem>>) dst(%dma_wait3A_101 : memref<1376xi32, #tpu.memory_space<hbm>>)
        tpu.yield
      }) : () -> ()
      "tpu.region"() ({
        %run_scoped3A = tpu.sem_alloc : memref<!tpu.dma_semaphore, #tpu.memory_space<semaphore_mem>>
        %dma_start3A = arith.constant 0 : i32
        %dma_start3A_94 = tpu.memref_slice %arg16[%dma_start3A] : memref<1408xf32, #tpu.memory_space<vmem>> -> memref<1376xf32, #tpu.memory_space<vmem>>
        %dma_start3A_95 = tpu.memref_slice %arg7[%add3A_72] : memref<43648xf32, #tpu.memory_space<hbm>> -> memref<1376xf32, #tpu.memory_space<hbm>>
        %dma_start3A_96 = tpu.memref_slice %arg7[%add3A_72] : memref<43648xf32, #tpu.memory_space<hbm>> -> memref<1376xf32, #tpu.memory_space<hbm>>
        %dma_start3A_97 = arith.constant 0 : i32
        %dma_start3A_98 = tpu.memref_slice %arg16[%dma_start3A_97] : memref<1408xf32, #tpu.memory_space<vmem>> -> memref<1376xf32, #tpu.memory_space<vmem>>
        tpu.enqueue_dma source(%dma_start3A_98 : memref<1376xf32, #tpu.memory_space<vmem>>) target(%dma_start3A_96 : memref<1376xf32, #tpu.memory_space<hbm>>) target_semaphore(%run_scoped3A : memref<!tpu.dma_semaphore, #tpu.memory_space<semaphore_mem>>)
        %dma_wait3A = arith.constant 0 : i32
        %dma_wait3A_99 = tpu.memref_slice %arg16[%dma_wait3A] : memref<1408xf32, #tpu.memory_space<vmem>> -> memref<1376xf32, #tpu.memory_space<vmem>>
        %dma_wait3A_100 = tpu.memref_slice %arg7[%add3A_72] : memref<43648xf32, #tpu.memory_space<hbm>> -> memref<1376xf32, #tpu.memory_space<hbm>>
        %dma_wait3A_101 = tpu.memref_slice %arg7[%add3A_72] : memref<43648xf32, #tpu.memory_space<hbm>> -> memref<1376xf32, #tpu.memory_space<hbm>>
        %dma_wait3A_102 = arith.constant 0 : i32
        %dma_wait3A_103 = tpu.memref_slice %arg16[%dma_wait3A_102] : memref<1408xf32, #tpu.memory_space<vmem>> -> memref<1376xf32, #tpu.memory_space<vmem>>
        tpu.wait_dma2 semaphore(%run_scoped3A : memref<!tpu.dma_semaphore, #tpu.memory_space<semaphore_mem>>) src(%dma_wait3A_103 : memref<1376xf32, #tpu.memory_space<vmem>>) dst(%dma_wait3A_101 : memref<1376xf32, #tpu.memory_space<hbm>>)
        tpu.yield
      }) : () -> ()
      "tpu.region"() ({
        %run_scoped3A = tpu.sem_alloc : memref<!tpu.dma_semaphore, #tpu.memory_space<semaphore_mem>>
        %dma_start3A = arith.constant 0 : i32
        %dma_start3A_94 = tpu.memref_slice %arg17[%dma_start3A] : memref<1408xf32, #tpu.memory_space<vmem>> -> memref<1376xf32, #tpu.memory_space<vmem>>
        %dma_start3A_95 = tpu.memref_slice %arg8[%add3A_79] : memref<174592xf32, #tpu.memory_space<hbm>> -> memref<1376xf32, #tpu.memory_space<hbm>>
        %dma_start3A_96 = tpu.memref_slice %arg8[%add3A_79] : memref<174592xf32, #tpu.memory_space<hbm>> -> memref<1376xf32, #tpu.memory_space<hbm>>
        %dma_start3A_97 = arith.constant 0 : i32
        %dma_start3A_98 = tpu.memref_slice %arg17[%dma_start3A_97] : memref<1408xf32, #tpu.memory_space<vmem>> -> memref<1376xf32, #tpu.memory_space<vmem>>
        tpu.enqueue_dma source(%dma_start3A_98 : memref<1376xf32, #tpu.memory_space<vmem>>) target(%dma_start3A_96 : memref<1376xf32, #tpu.memory_space<hbm>>) target_semaphore(%run_scoped3A : memref<!tpu.dma_semaphore, #tpu.memory_space<semaphore_mem>>)
        %dma_wait3A = arith.constant 0 : i32
        %dma_wait3A_99 = tpu.memref_slice %arg17[%dma_wait3A] : memref<1408xf32, #tpu.memory_space<vmem>> -> memref<1376xf32, #tpu.memory_space<vmem>>
        %dma_wait3A_100 = tpu.memref_slice %arg8[%add3A_79] : memref<174592xf32, #tpu.memory_space<hbm>> -> memref<1376xf32, #tpu.memory_space<hbm>>
        %dma_wait3A_101 = tpu.memref_slice %arg8[%add3A_79] : memref<174592xf32, #tpu.memory_space<hbm>> -> memref<1376xf32, #tpu.memory_space<hbm>>
        %dma_wait3A_102 = arith.constant 0 : i32
        %dma_wait3A_103 = tpu.memref_slice %arg17[%dma_wait3A_102] : memref<1408xf32, #tpu.memory_space<vmem>> -> memref<1376xf32, #tpu.memory_space<vmem>>
        tpu.wait_dma2 semaphore(%run_scoped3A : memref<!tpu.dma_semaphore, #tpu.memory_space<semaphore_mem>>) src(%dma_wait3A_103 : memref<1376xf32, #tpu.memory_space<vmem>>) dst(%dma_wait3A_101 : memref<1376xf32, #tpu.memory_space<hbm>>)
        tpu.yield
      }) : () -> ()
      %add3A_88 = arith.constant 5456 : i32
      %add3A_89 = arith.addi %add3A_79, %add3A_88 : i32
      "tpu.region"() ({
        %run_scoped3A = tpu.sem_alloc : memref<!tpu.dma_semaphore, #tpu.memory_space<semaphore_mem>>
        %dma_start3A = arith.constant 0 : i32
        %dma_start3A_94 = tpu.memref_slice %arg18[%dma_start3A] : memref<1408xf32, #tpu.memory_space<vmem>> -> memref<1376xf32, #tpu.memory_space<vmem>>
        %dma_start3A_95 = tpu.memref_slice %arg8[%add3A_89] : memref<174592xf32, #tpu.memory_space<hbm>> -> memref<1376xf32, #tpu.memory_space<hbm>>
        %dma_start3A_96 = tpu.memref_slice %arg8[%add3A_89] : memref<174592xf32, #tpu.memory_space<hbm>> -> memref<1376xf32, #tpu.memory_space<hbm>>
        %dma_start3A_97 = arith.constant 0 : i32
        %dma_start3A_98 = tpu.memref_slice %arg18[%dma_start3A_97] : memref<1408xf32, #tpu.memory_space<vmem>> -> memref<1376xf32, #tpu.memory_space<vmem>>
        tpu.enqueue_dma source(%dma_start3A_98 : memref<1376xf32, #tpu.memory_space<vmem>>) target(%dma_start3A_96 : memref<1376xf32, #tpu.memory_space<hbm>>) target_semaphore(%run_scoped3A : memref<!tpu.dma_semaphore, #tpu.memory_space<semaphore_mem>>)
        %dma_wait3A = arith.constant 0 : i32
        %dma_wait3A_99 = tpu.memref_slice %arg18[%dma_wait3A] : memref<1408xf32, #tpu.memory_space<vmem>> -> memref<1376xf32, #tpu.memory_space<vmem>>
        %dma_wait3A_100 = tpu.memref_slice %arg8[%add3A_89] : memref<174592xf32, #tpu.memory_space<hbm>> -> memref<1376xf32, #tpu.memory_space<hbm>>
        %dma_wait3A_101 = tpu.memref_slice %arg8[%add3A_89] : memref<174592xf32, #tpu.memory_space<hbm>> -> memref<1376xf32, #tpu.memory_space<hbm>>
        %dma_wait3A_102 = arith.constant 0 : i32
        %dma_wait3A_103 = tpu.memref_slice %arg18[%dma_wait3A_102] : memref<1408xf32, #tpu.memory_space<vmem>> -> memref<1376xf32, #tpu.memory_space<vmem>>
        tpu.wait_dma2 semaphore(%run_scoped3A : memref<!tpu.dma_semaphore, #tpu.memory_space<semaphore_mem>>) src(%dma_wait3A_103 : memref<1376xf32, #tpu.memory_space<vmem>>) dst(%dma_wait3A_101 : memref<1376xf32, #tpu.memory_space<hbm>>)
        tpu.yield
      }) : () -> ()
      %add3A_90 = arith.constant 10912 : i32
      %add3A_91 = arith.addi %add3A_79, %add3A_90 : i32
      "tpu.region"() ({
        %run_scoped3A = tpu.sem_alloc : memref<!tpu.dma_semaphore, #tpu.memory_space<semaphore_mem>>
        %dma_start3A = arith.constant 0 : i32
        %dma_start3A_94 = tpu.memref_slice %arg19[%dma_start3A] : memref<1408xf32, #tpu.memory_space<vmem>> -> memref<1376xf32, #tpu.memory_space<vmem>>
        %dma_start3A_95 = tpu.memref_slice %arg8[%add3A_91] : memref<174592xf32, #tpu.memory_space<hbm>> -> memref<1376xf32, #tpu.memory_space<hbm>>
        %dma_start3A_96 = tpu.memref_slice %arg8[%add3A_91] : memref<174592xf32, #tpu.memory_space<hbm>> -> memref<1376xf32, #tpu.memory_space<hbm>>
        %dma_start3A_97 = arith.constant 0 : i32
        %dma_start3A_98 = tpu.memref_slice %arg19[%dma_start3A_97] : memref<1408xf32, #tpu.memory_space<vmem>> -> memref<1376xf32, #tpu.memory_space<vmem>>
        tpu.enqueue_dma source(%dma_start3A_98 : memref<1376xf32, #tpu.memory_space<vmem>>) target(%dma_start3A_96 : memref<1376xf32, #tpu.memory_space<hbm>>) target_semaphore(%run_scoped3A : memref<!tpu.dma_semaphore, #tpu.memory_space<semaphore_mem>>)
        %dma_wait3A = arith.constant 0 : i32
        %dma_wait3A_99 = tpu.memref_slice %arg19[%dma_wait3A] : memref<1408xf32, #tpu.memory_space<vmem>> -> memref<1376xf32, #tpu.memory_space<vmem>>
        %dma_wait3A_100 = tpu.memref_slice %arg8[%add3A_91] : memref<174592xf32, #tpu.memory_space<hbm>> -> memref<1376xf32, #tpu.memory_space<hbm>>
        %dma_wait3A_101 = tpu.memref_slice %arg8[%add3A_91] : memref<174592xf32, #tpu.memory_space<hbm>> -> memref<1376xf32, #tpu.memory_space<hbm>>
        %dma_wait3A_102 = arith.constant 0 : i32
        %dma_wait3A_103 = tpu.memref_slice %arg19[%dma_wait3A_102] : memref<1408xf32, #tpu.memory_space<vmem>> -> memref<1376xf32, #tpu.memory_space<vmem>>
        tpu.wait_dma2 semaphore(%run_scoped3A : memref<!tpu.dma_semaphore, #tpu.memory_space<semaphore_mem>>) src(%dma_wait3A_103 : memref<1376xf32, #tpu.memory_space<vmem>>) dst(%dma_wait3A_101 : memref<1376xf32, #tpu.memory_space<hbm>>)
        tpu.yield
      }) : () -> ()
      %add3A_92 = arith.constant 16368 : i32
      %add3A_93 = arith.addi %add3A_79, %add3A_92 : i32
      "tpu.region"() ({
        %run_scoped3A = tpu.sem_alloc : memref<!tpu.dma_semaphore, #tpu.memory_space<semaphore_mem>>
        %dma_start3A = arith.constant 0 : i32
        %dma_start3A_94 = tpu.memref_slice %arg20[%dma_start3A] : memref<1408xf32, #tpu.memory_space<vmem>> -> memref<1376xf32, #tpu.memory_space<vmem>>
        %dma_start3A_95 = tpu.memref_slice %arg8[%add3A_93] : memref<174592xf32, #tpu.memory_space<hbm>> -> memref<1376xf32, #tpu.memory_space<hbm>>
        %dma_start3A_96 = tpu.memref_slice %arg8[%add3A_93] : memref<174592xf32, #tpu.memory_space<hbm>> -> memref<1376xf32, #tpu.memory_space<hbm>>
        %dma_start3A_97 = arith.constant 0 : i32
        %dma_start3A_98 = tpu.memref_slice %arg20[%dma_start3A_97] : memref<1408xf32, #tpu.memory_space<vmem>> -> memref<1376xf32, #tpu.memory_space<vmem>>
        tpu.enqueue_dma source(%dma_start3A_98 : memref<1376xf32, #tpu.memory_space<vmem>>) target(%dma_start3A_96 : memref<1376xf32, #tpu.memory_space<hbm>>) target_semaphore(%run_scoped3A : memref<!tpu.dma_semaphore, #tpu.memory_space<semaphore_mem>>)
        %dma_wait3A = arith.constant 0 : i32
        %dma_wait3A_99 = tpu.memref_slice %arg20[%dma_wait3A] : memref<1408xf32, #tpu.memory_space<vmem>> -> memref<1376xf32, #tpu.memory_space<vmem>>
        %dma_wait3A_100 = tpu.memref_slice %arg8[%add3A_93] : memref<174592xf32, #tpu.memory_space<hbm>> -> memref<1376xf32, #tpu.memory_space<hbm>>
        %dma_wait3A_101 = tpu.memref_slice %arg8[%add3A_93] : memref<174592xf32, #tpu.memory_space<hbm>> -> memref<1376xf32, #tpu.memory_space<hbm>>
        %dma_wait3A_102 = arith.constant 0 : i32
        %dma_wait3A_103 = tpu.memref_slice %arg20[%dma_wait3A_102] : memref<1408xf32, #tpu.memory_space<vmem>> -> memref<1376xf32, #tpu.memory_space<vmem>>
        tpu.wait_dma2 semaphore(%run_scoped3A : memref<!tpu.dma_semaphore, #tpu.memory_space<semaphore_mem>>) src(%dma_wait3A_103 : memref<1376xf32, #tpu.memory_space<vmem>>) dst(%dma_wait3A_101 : memref<1376xf32, #tpu.memory_space<hbm>>)
        tpu.yield
      }) : () -> ()
    } else {
    }
    %eq3A_83 = arith.constant 3 : i32
    %eq3A_84 = arith.cmpi eq, %select_n3A_30, %eq3A_83 : i32
    %convert_element_type3A_85 = arith.extui %eq3A_84 : i1 to i32
    %cond3A_86 = arith.constant 0 : i32
    %cond3A_87 = arith.cmpi ne, %convert_element_type3A_85, %cond3A_86 : i32
    scf.if %cond3A_87 {
      "tpu.region"() ({
        %run_scoped3A = tpu.sem_alloc : memref<!tpu.dma_semaphore, #tpu.memory_space<semaphore_mem>>
        %dma_start3A = arith.constant 0 : i32
        %dma_start3A_94 = tpu.memref_slice %arg15[%dma_start3A] : memref<1408xi32, #tpu.memory_space<vmem>> -> memref<1328xi32, #tpu.memory_space<vmem>>
        %dma_start3A_95 = tpu.memref_slice %arg6[%add3A_72] : memref<43648xi32, #tpu.memory_space<hbm>> -> memref<1328xi32, #tpu.memory_space<hbm>>
        %dma_start3A_96 = tpu.memref_slice %arg6[%add3A_72] : memref<43648xi32, #tpu.memory_space<hbm>> -> memref<1328xi32, #tpu.memory_space<hbm>>
        %dma_start3A_97 = arith.constant 0 : i32
        %dma_start3A_98 = tpu.memref_slice %arg15[%dma_start3A_97] : memref<1408xi32, #tpu.memory_space<vmem>> -> memref<1328xi32, #tpu.memory_space<vmem>>
        tpu.enqueue_dma source(%dma_start3A_98 : memref<1328xi32, #tpu.memory_space<vmem>>) target(%dma_start3A_96 : memref<1328xi32, #tpu.memory_space<hbm>>) target_semaphore(%run_scoped3A : memref<!tpu.dma_semaphore, #tpu.memory_space<semaphore_mem>>)
        %dma_wait3A = arith.constant 0 : i32
        %dma_wait3A_99 = tpu.memref_slice %arg15[%dma_wait3A] : memref<1408xi32, #tpu.memory_space<vmem>> -> memref<1328xi32, #tpu.memory_space<vmem>>
        %dma_wait3A_100 = tpu.memref_slice %arg6[%add3A_72] : memref<43648xi32, #tpu.memory_space<hbm>> -> memref<1328xi32, #tpu.memory_space<hbm>>
        %dma_wait3A_101 = tpu.memref_slice %arg6[%add3A_72] : memref<43648xi32, #tpu.memory_space<hbm>> -> memref<1328xi32, #tpu.memory_space<hbm>>
        %dma_wait3A_102 = arith.constant 0 : i32
        %dma_wait3A_103 = tpu.memref_slice %arg15[%dma_wait3A_102] : memref<1408xi32, #tpu.memory_space<vmem>> -> memref<1328xi32, #tpu.memory_space<vmem>>
        tpu.wait_dma2 semaphore(%run_scoped3A : memref<!tpu.dma_semaphore, #tpu.memory_space<semaphore_mem>>) src(%dma_wait3A_103 : memref<1328xi32, #tpu.memory_space<vmem>>) dst(%dma_wait3A_101 : memref<1328xi32, #tpu.memory_space<hbm>>)
        tpu.yield
      }) : () -> ()
      "tpu.region"() ({
        %run_scoped3A = tpu.sem_alloc : memref<!tpu.dma_semaphore, #tpu.memory_space<semaphore_mem>>
        %dma_start3A = arith.constant 0 : i32
        %dma_start3A_94 = tpu.memref_slice %arg16[%dma_start3A] : memref<1408xf32, #tpu.memory_space<vmem>> -> memref<1328xf32, #tpu.memory_space<vmem>>
        %dma_start3A_95 = tpu.memref_slice %arg7[%add3A_72] : memref<43648xf32, #tpu.memory_space<hbm>> -> memref<1328xf32, #tpu.memory_space<hbm>>
        %dma_start3A_96 = tpu.memref_slice %arg7[%add3A_72] : memref<43648xf32, #tpu.memory_space<hbm>> -> memref<1328xf32, #tpu.memory_space<hbm>>
        %dma_start3A_97 = arith.constant 0 : i32
        %dma_start3A_98 = tpu.memref_slice %arg16[%dma_start3A_97] : memref<1408xf32, #tpu.memory_space<vmem>> -> memref<1328xf32, #tpu.memory_space<vmem>>
        tpu.enqueue_dma source(%dma_start3A_98 : memref<1328xf32, #tpu.memory_space<vmem>>) target(%dma_start3A_96 : memref<1328xf32, #tpu.memory_space<hbm>>) target_semaphore(%run_scoped3A : memref<!tpu.dma_semaphore, #tpu.memory_space<semaphore_mem>>)
        %dma_wait3A = arith.constant 0 : i32
        %dma_wait3A_99 = tpu.memref_slice %arg16[%dma_wait3A] : memref<1408xf32, #tpu.memory_space<vmem>> -> memref<1328xf32, #tpu.memory_space<vmem>>
        %dma_wait3A_100 = tpu.memref_slice %arg7[%add3A_72] : memref<43648xf32, #tpu.memory_space<hbm>> -> memref<1328xf32, #tpu.memory_space<hbm>>
        %dma_wait3A_101 = tpu.memref_slice %arg7[%add3A_72] : memref<43648xf32, #tpu.memory_space<hbm>> -> memref<1328xf32, #tpu.memory_space<hbm>>
        %dma_wait3A_102 = arith.constant 0 : i32
        %dma_wait3A_103 = tpu.memref_slice %arg16[%dma_wait3A_102] : memref<1408xf32, #tpu.memory_space<vmem>> -> memref<1328xf32, #tpu.memory_space<vmem>>
        tpu.wait_dma2 semaphore(%run_scoped3A : memref<!tpu.dma_semaphore, #tpu.memory_space<semaphore_mem>>) src(%dma_wait3A_103 : memref<1328xf32, #tpu.memory_space<vmem>>) dst(%dma_wait3A_101 : memref<1328xf32, #tpu.memory_space<hbm>>)
        tpu.yield
      }) : () -> ()
      "tpu.region"() ({
        %run_scoped3A = tpu.sem_alloc : memref<!tpu.dma_semaphore, #tpu.memory_space<semaphore_mem>>
        %dma_start3A = arith.constant 0 : i32
        %dma_start3A_94 = tpu.memref_slice %arg17[%dma_start3A] : memref<1408xf32, #tpu.memory_space<vmem>> -> memref<1328xf32, #tpu.memory_space<vmem>>
        %dma_start3A_95 = tpu.memref_slice %arg8[%add3A_79] : memref<174592xf32, #tpu.memory_space<hbm>> -> memref<1328xf32, #tpu.memory_space<hbm>>
        %dma_start3A_96 = tpu.memref_slice %arg8[%add3A_79] : memref<174592xf32, #tpu.memory_space<hbm>> -> memref<1328xf32, #tpu.memory_space<hbm>>
        %dma_start3A_97 = arith.constant 0 : i32
        %dma_start3A_98 = tpu.memref_slice %arg17[%dma_start3A_97] : memref<1408xf32, #tpu.memory_space<vmem>> -> memref<1328xf32, #tpu.memory_space<vmem>>
        tpu.enqueue_dma source(%dma_start3A_98 : memref<1328xf32, #tpu.memory_space<vmem>>) target(%dma_start3A_96 : memref<1328xf32, #tpu.memory_space<hbm>>) target_semaphore(%run_scoped3A : memref<!tpu.dma_semaphore, #tpu.memory_space<semaphore_mem>>)
        %dma_wait3A = arith.constant 0 : i32
        %dma_wait3A_99 = tpu.memref_slice %arg17[%dma_wait3A] : memref<1408xf32, #tpu.memory_space<vmem>> -> memref<1328xf32, #tpu.memory_space<vmem>>
        %dma_wait3A_100 = tpu.memref_slice %arg8[%add3A_79] : memref<174592xf32, #tpu.memory_space<hbm>> -> memref<1328xf32, #tpu.memory_space<hbm>>
        %dma_wait3A_101 = tpu.memref_slice %arg8[%add3A_79] : memref<174592xf32, #tpu.memory_space<hbm>> -> memref<1328xf32, #tpu.memory_space<hbm>>
        %dma_wait3A_102 = arith.constant 0 : i32
        %dma_wait3A_103 = tpu.memref_slice %arg17[%dma_wait3A_102] : memref<1408xf32, #tpu.memory_space<vmem>> -> memref<1328xf32, #tpu.memory_space<vmem>>
        tpu.wait_dma2 semaphore(%run_scoped3A : memref<!tpu.dma_semaphore, #tpu.memory_space<semaphore_mem>>) src(%dma_wait3A_103 : memref<1328xf32, #tpu.memory_space<vmem>>) dst(%dma_wait3A_101 : memref<1328xf32, #tpu.memory_space<hbm>>)
        tpu.yield
      }) : () -> ()
      %add3A_88 = arith.constant 5456 : i32
      %add3A_89 = arith.addi %add3A_79, %add3A_88 : i32
      "tpu.region"() ({
        %run_scoped3A = tpu.sem_alloc : memref<!tpu.dma_semaphore, #tpu.memory_space<semaphore_mem>>
        %dma_start3A = arith.constant 0 : i32
        %dma_start3A_94 = tpu.memref_slice %arg18[%dma_start3A] : memref<1408xf32, #tpu.memory_space<vmem>> -> memref<1328xf32, #tpu.memory_space<vmem>>
        %dma_start3A_95 = tpu.memref_slice %arg8[%add3A_89] : memref<174592xf32, #tpu.memory_space<hbm>> -> memref<1328xf32, #tpu.memory_space<hbm>>
        %dma_start3A_96 = tpu.memref_slice %arg8[%add3A_89] : memref<174592xf32, #tpu.memory_space<hbm>> -> memref<1328xf32, #tpu.memory_space<hbm>>
        %dma_start3A_97 = arith.constant 0 : i32
        %dma_start3A_98 = tpu.memref_slice %arg18[%dma_start3A_97] : memref<1408xf32, #tpu.memory_space<vmem>> -> memref<1328xf32, #tpu.memory_space<vmem>>
        tpu.enqueue_dma source(%dma_start3A_98 : memref<1328xf32, #tpu.memory_space<vmem>>) target(%dma_start3A_96 : memref<1328xf32, #tpu.memory_space<hbm>>) target_semaphore(%run_scoped3A : memref<!tpu.dma_semaphore, #tpu.memory_space<semaphore_mem>>)
        %dma_wait3A = arith.constant 0 : i32
        %dma_wait3A_99 = tpu.memref_slice %arg18[%dma_wait3A] : memref<1408xf32, #tpu.memory_space<vmem>> -> memref<1328xf32, #tpu.memory_space<vmem>>
        %dma_wait3A_100 = tpu.memref_slice %arg8[%add3A_89] : memref<174592xf32, #tpu.memory_space<hbm>> -> memref<1328xf32, #tpu.memory_space<hbm>>
        %dma_wait3A_101 = tpu.memref_slice %arg8[%add3A_89] : memref<174592xf32, #tpu.memory_space<hbm>> -> memref<1328xf32, #tpu.memory_space<hbm>>
        %dma_wait3A_102 = arith.constant 0 : i32
        %dma_wait3A_103 = tpu.memref_slice %arg18[%dma_wait3A_102] : memref<1408xf32, #tpu.memory_space<vmem>> -> memref<1328xf32, #tpu.memory_space<vmem>>
        tpu.wait_dma2 semaphore(%run_scoped3A : memref<!tpu.dma_semaphore, #tpu.memory_space<semaphore_mem>>) src(%dma_wait3A_103 : memref<1328xf32, #tpu.memory_space<vmem>>) dst(%dma_wait3A_101 : memref<1328xf32, #tpu.memory_space<hbm>>)
        tpu.yield
      }) : () -> ()
      %add3A_90 = arith.constant 10912 : i32
      %add3A_91 = arith.addi %add3A_79, %add3A_90 : i32
      "tpu.region"() ({
        %run_scoped3A = tpu.sem_alloc : memref<!tpu.dma_semaphore, #tpu.memory_space<semaphore_mem>>
        %dma_start3A = arith.constant 0 : i32
        %dma_start3A_94 = tpu.memref_slice %arg19[%dma_start3A] : memref<1408xf32, #tpu.memory_space<vmem>> -> memref<1328xf32, #tpu.memory_space<vmem>>
        %dma_start3A_95 = tpu.memref_slice %arg8[%add3A_91] : memref<174592xf32, #tpu.memory_space<hbm>> -> memref<1328xf32, #tpu.memory_space<hbm>>
        %dma_start3A_96 = tpu.memref_slice %arg8[%add3A_91] : memref<174592xf32, #tpu.memory_space<hbm>> -> memref<1328xf32, #tpu.memory_space<hbm>>
        %dma_start3A_97 = arith.constant 0 : i32
        %dma_start3A_98 = tpu.memref_slice %arg19[%dma_start3A_97] : memref<1408xf32, #tpu.memory_space<vmem>> -> memref<1328xf32, #tpu.memory_space<vmem>>
        tpu.enqueue_dma source(%dma_start3A_98 : memref<1328xf32, #tpu.memory_space<vmem>>) target(%dma_start3A_96 : memref<1328xf32, #tpu.memory_space<hbm>>) target_semaphore(%run_scoped3A : memref<!tpu.dma_semaphore, #tpu.memory_space<semaphore_mem>>)
        %dma_wait3A = arith.constant 0 : i32
        %dma_wait3A_99 = tpu.memref_slice %arg19[%dma_wait3A] : memref<1408xf32, #tpu.memory_space<vmem>> -> memref<1328xf32, #tpu.memory_space<vmem>>
        %dma_wait3A_100 = tpu.memref_slice %arg8[%add3A_91] : memref<174592xf32, #tpu.memory_space<hbm>> -> memref<1328xf32, #tpu.memory_space<hbm>>
        %dma_wait3A_101 = tpu.memref_slice %arg8[%add3A_91] : memref<174592xf32, #tpu.memory_space<hbm>> -> memref<1328xf32, #tpu.memory_space<hbm>>
        %dma_wait3A_102 = arith.constant 0 : i32
        %dma_wait3A_103 = tpu.memref_slice %arg19[%dma_wait3A_102] : memref<1408xf32, #tpu.memory_space<vmem>> -> memref<1328xf32, #tpu.memory_space<vmem>>
        tpu.wait_dma2 semaphore(%run_scoped3A : memref<!tpu.dma_semaphore, #tpu.memory_space<semaphore_mem>>) src(%dma_wait3A_103 : memref<1328xf32, #tpu.memory_space<vmem>>) dst(%dma_wait3A_101 : memref<1328xf32, #tpu.memory_space<hbm>>)
        tpu.yield
      }) : () -> ()
      %add3A_92 = arith.constant 16368 : i32
      %add3A_93 = arith.addi %add3A_79, %add3A_92 : i32
      "tpu.region"() ({
        %run_scoped3A = tpu.sem_alloc : memref<!tpu.dma_semaphore, #tpu.memory_space<semaphore_mem>>
        %dma_start3A = arith.constant 0 : i32
        %dma_start3A_94 = tpu.memref_slice %arg20[%dma_start3A] : memref<1408xf32, #tpu.memory_space<vmem>> -> memref<1328xf32, #tpu.memory_space<vmem>>
        %dma_start3A_95 = tpu.memref_slice %arg8[%add3A_93] : memref<174592xf32, #tpu.memory_space<hbm>> -> memref<1328xf32, #tpu.memory_space<hbm>>
        %dma_start3A_96 = tpu.memref_slice %arg8[%add3A_93] : memref<174592xf32, #tpu.memory_space<hbm>> -> memref<1328xf32, #tpu.memory_space<hbm>>
        %dma_start3A_97 = arith.constant 0 : i32
        %dma_start3A_98 = tpu.memref_slice %arg20[%dma_start3A_97] : memref<1408xf32, #tpu.memory_space<vmem>> -> memref<1328xf32, #tpu.memory_space<vmem>>
        tpu.enqueue_dma source(%dma_start3A_98 : memref<1328xf32, #tpu.memory_space<vmem>>) target(%dma_start3A_96 : memref<1328xf32, #tpu.memory_space<hbm>>) target_semaphore(%run_scoped3A : memref<!tpu.dma_semaphore, #tpu.memory_space<semaphore_mem>>)
        %dma_wait3A = arith.constant 0 : i32
        %dma_wait3A_99 = tpu.memref_slice %arg20[%dma_wait3A] : memref<1408xf32, #tpu.memory_space<vmem>> -> memref<1328xf32, #tpu.memory_space<vmem>>
        %dma_wait3A_100 = tpu.memref_slice %arg8[%add3A_93] : memref<174592xf32, #tpu.memory_space<hbm>> -> memref<1328xf32, #tpu.memory_space<hbm>>
        %dma_wait3A_101 = tpu.memref_slice %arg8[%add3A_93] : memref<174592xf32, #tpu.memory_space<hbm>> -> memref<1328xf32, #tpu.memory_space<hbm>>
        %dma_wait3A_102 = arith.constant 0 : i32
        %dma_wait3A_103 = tpu.memref_slice %arg20[%dma_wait3A_102] : memref<1408xf32, #tpu.memory_space<vmem>> -> memref<1328xf32, #tpu.memory_space<vmem>>
        tpu.wait_dma2 semaphore(%run_scoped3A : memref<!tpu.dma_semaphore, #tpu.memory_space<semaphore_mem>>) src(%dma_wait3A_103 : memref<1328xf32, #tpu.memory_space<vmem>>) dst(%dma_wait3A_101 : memref<1328xf32, #tpu.memory_space<hbm>>)
        tpu.yield
      }) : () -> ()
    } else {
    }
    return
  }
}

</mosaic_0001>

<sc_bundles>
// kernel: kernel.3.cloned.1.call-start
scs
__scs_entry_jumppad:
0x0: {  	(pc) =	sbr.rel $0x88, $3  }
0x1: {  	(tag) =	ssettag $0x0;
	lr =	simm.s32 $0x1  }
0x2: {  	[smem:$0x3F9F] =	sst lr;
	_ =	strace $0xD0000000  }
0x3: {  	_ = 	snop  }
0x4: {  	_ = 	snop  }
0x5: {  	_ = 	snop  }
0x6: {  	_ = 	snop  }
0x7: {  	_ = 	snop  }
__scs_overlays_trampoline_lowered:
0x8: {  	[smem:$0x3FAE] =	sst s0  }
0x9: {  	[smem:$0x3FAF] =	sst s1  }
0xa: {  	[smem:$0x3FB0] =	sst s2  }
0xb: {  	[smem:$0x3FB1] =	sst s3  }
0xc: {  	[smem:$0x3FB2] =	sst s4  }
0xd: {  	[smem:$0x3FB3] =	sst s5  }
0xe: {  	[smem:$0x3FB4] =	sst s6  }
0xf: {  	[smem:$0x3FB5] =	sst s7  }
0x10: {  	[smem:$0x3FB6] =	sst s8  }
0x11: {  	[smem:$0x3FB7] =	sst s9;
	s0 =	simm.s32 @!p0 $0x0  }
0x12: {  	s1 =	sld [smem:$0x3F9D];
	s0 =	simm.s32 @p0 $0x1  }
0x13: {  	[smem:$0x3FB8] =	sst s0;
	s0 =	simm.s32 @!p1 $0x0  }
0x14: {  	s2 =	sld [smem:$0x3F9C];
	s0 =	simm.s32 @p1 $0x1  }
0x15: {  	[smem:$0x3FB9] =	sst s0;
	s0 =	simm.s32 @!p2 $0x0  }
0x16: {  	s3 =	sld [smem:$0x3FDB];
	s0 =	simm.s32 @p2 $0x1  }
0x17: {  	s4 =	simm.s32 $0x1BF5;
	[smem:$0x3FBB] =	sst s0  }
0x18: {  	s0 =	sld [smem:$0x3F9E];
	_ =	swait.ge [sflag:s4], $0x0  }
0x19: {  	s7 =	sld [smem:$0x3F9F]  }
0x1a: {  	s8 =	sadd.s32 $0xFFFFE003, lr  }
0x1b: {  	s9 =	sadd.s32 $0xFFFFFEF7, lr;
	s5 =	simm.s32 $0xFFFFFFFF;
	p2 =	slt.u32 s8, $0xFFFFF086  }
0x1c: {  	p1 =	slt.u32 s9, $0xF7A;
	s5 =	simm.s32 @!p2 $0x0  }
0x1d: {  	s5 =	simm.s32 @p1 $0x1;
	p0 =	seq.s32 s7, s2  }
0x1e: {  	s7 =	smul.u32 @!p0 $0xF7A, s2;
	p2 =	seq.s32 @!p0 s5, $0x0  }
0x1f: {  	s9 =	smul.u32 $0xF7A, s1;
	s8 =	simm.s32 @!p0 $0x1BF5;
	p2 =	por !p2, p0  }
0x20: {  	[sflag:s8] =	ssyncset.s32 @!p0 $0xFFFFF086;
	s6 =	sadd.s32 @!p0 s3, s7;
	s7 =	simm.s32 @!p0 $0x108  }
0x21: {  	s3 =	sadd.s32 s3, s9;
	s6 =	sadd.s32 @!p0 $0x88, s6;
	s7 =	simm.s32 @p2 $0x1082  }
0x22: {  	[simem:s7], [sflag:s8] =	dma.local @!p0 [hbm:s6], $0xF7A  }
0x23: {  	s9 =	sor.u32 $0xD0000000, s2;
	s6 =	simm.s32 $0x108;
	_ =	swait.ge @!p0 [sflag:s8], $0x0  }
0x24: {  	s3 =	sadd.s32 $0x88, s3;
	s6 =	simm.s32 @!p1 $0x1082;
	[sflag:s4] =	ssyncset.s32 $0xFFFFF086  }
0x25: {  	[simem:s6], [sflag:s4] =	dma.local [hbm:s3], $0xF7A  }
0x26: {  	[smem:$0x3F9F] =	sst s1;
	(tag) =	ssettag s2;
	_ =	strace s9  }
0x27: {  	s1 =	sld [smem:$0x3FAF]  }
0x28: {  	s2 =	sld [smem:$0x3FB0]  }
0x29: {  	s4 =	sld [smem:$0x3FB2]  }
0x2a: {  	p0 =	seq.s32 s5, $0x0;
	s5 =	sld [smem:$0x3FB3]  }
0x2b: {  	s6 =	sld [smem:$0x3FB4]  }
0x2c: {  	s7 =	sld [smem:$0x3FB5]  }
0x2d: {  	s3 =	simm.s32 $0x108;
	s8 =	sld [smem:$0x3FB6]  }
0x2e: {  	s3 =	simm.s32 @!p0 $0x1082;
	s9 =	sld [smem:$0x3FB7]  }
0x2f: {  	lr =	sadd.s32 s0, s3;
	s0 =	sld [smem:$0x3FAE]  }
0x30: {  	s3 =	sld [smem:$0x3FB1]  }
0x31: {  	[smem:$0x3FBA] =	sst s10  }
0x32: {  	s10 =	sld [smem:$0x3FB8];
	_ =	sdelay $0x3  }
0x33: {  	p0 =	seq.s32 s10, $0x1;
	s10 =	sld [smem:$0x3FBA];
	_ =	sdelay $0x3  }
0x34: {  	[smem:$0x3FBA] =	sst s10  }
0x35: {  	s10 =	sld [smem:$0x3FB9];
	_ =	sdelay $0x3  }
0x36: {  	p1 =	seq.s32 s10, $0x1;
	s10 =	sld [smem:$0x3FBA];
	_ =	sdelay $0x3  }
0x37: {  	[smem:$0x3FBA] =	sst s10  }
0x38: {  	s10 =	sld [smem:$0x3FBB]  }
0x39: {  	_ = 	snop;
	(pc) =	sbr.ind lr, $3  }
0x3a: {  	_ = 	snop  }
0x3b: {  	_ = 	snop  }
0x3c: {  	p2 =	seq.s32 s10, $0x1;
	s10 =	sld [smem:$0x3FBA]  }
0x3d: {  	_ =	shalt  }
0x3e: {  	_ =	shalt  }
0x3f: {  	_ =	shalt  }
0x40: {  	_ =	shalt  }
0x41: {  	_ =	shalt  }
0x42: {  	_ =	shalt  }
0x43: {  	_ =	shalt  }
0x44: {  	_ =	shalt  }
0x45: {  	_ =	shalt  }
0x46: {  	_ =	shalt  }
0x47: {  	_ =	shalt  }
0x48: {  	_ =	shalt  }
0x49: {  	_ =	shalt  }
0x4a: {  	_ =	shalt  }
0x4b: {  	_ =	shalt  }
0x4c: {  	_ =	shalt  }
0x4d: {  	_ =	shalt  }
0x4e: {  	_ =	shalt  }
0x4f: {  	_ =	shalt  }
0x50: {  	_ =	shalt  }
0x51: {  	_ =	shalt  }
0x52: {  	_ =	shalt  }
0x53: {  	_ =	shalt  }
0x54: {  	_ =	shalt  }
0x55: {  	_ =	shalt  }
0x56: {  	_ =	shalt  }
0x57: {  	_ =	shalt  }
0x58: {  	_ =	shalt  }
0x59: {  	_ =	shalt  }
0x5a: {  	_ =	shalt  }
0x5b: {  	_ =	shalt  }
0x5c: {  	_ =	shalt  }
0x5d: {  	_ =	shalt  }
0x5e: {  	_ =	shalt  }
0x5f: {  	_ =	shalt  }
0x60: {  	_ =	shalt  }
0x61: {  	_ =	shalt  }
0x62: {  	_ =	shalt  }
0x63: {  	_ =	shalt  }
0x64: {  	_ =	shalt  }
0x65: {  	_ =	shalt  }
0x66: {  	_ =	shalt  }
0x67: {  	_ =	shalt  }
0x68: {  	_ =	shalt  }
0x69: {  	_ =	shalt  }
0x6a: {  	_ =	shalt  }
0x6b: {  	_ =	shalt  }
0x6c: {  	_ =	shalt  }
0x6d: {  	_ =	shalt  }
0x6e: {  	_ =	shalt  }
0x6f: {  	_ =	shalt  }
0x70: {  	_ =	shalt  }
0x71: {  	_ =	shalt  }
0x72: {  	_ =	shalt  }
0x73: {  	_ =	shalt  }
0x74: {  	_ =	shalt  }
0x75: {  	_ =	shalt  }
0x76: {  	_ =	shalt  }
0x77: {  	_ =	shalt  }
0x78: {  	_ =	shalt  }
0x79: {  	_ =	shalt  }
0x7a: {  	_ =	shalt  }
0x7b: {  	_ =	shalt  }
0x7c: {  	_ =	shalt  }
0x7d: {  	_ =	shalt  }
0x7e: {  	_ =	shalt  }
0x7f: {  	_ =	shalt  }
0x80: {  	_ =	shalt  }
0x81: {  	_ =	shalt  }
0x82: {  	_ =	shalt  }
0x83: {  	_ =	shalt  }
0x84: {  	_ =	shalt  }
0x85: {  	_ =	shalt  }
0x86: {  	_ =	shalt  }
0x87: {  	_ =	shalt  }
.Lfunc_end0:
.L_simem_size_0:
called_computation_lowered:
.L_overlay_start_0:
0x88: {  	s2 =	sld [smem:$0x3FD9]  }
0x89: {  	s3 =	sld [smem:$0x3FFE];
	_ =	sdelay $0x1  }
0x8a: {  	s1 =	srdreg.scid  }
0x8b: {  	s0 =	sand.u32 $0x1, s1  }
0x8c: {  	s14 =	sshll.u32 s0, $0xA;
	s2 =	sadd.s32 s3, s2  }
0x8d: {  	s2 =	sadd.s32 s2, s14  }
0x8e: {  	[smem:$0x3FC6] =	sst s2  }
0x8f: {  	_ = 	snop  }
0x90: {  	s2 =	sld [smem:$0x3FD0];
	_ =	sdelay $0x2  }
0x91: {  	s15 =	simm.s32 $0xA;
	s4 =	simm.s32 $0x10  }
0x92: {  	[smem:s4], [sflag:s15] =	dma.local [hbm:s2], $0x1  }
0x93: {  	_ =	swait.eq [sflag:s15], $0x1  }
0x94: {  	s16 =	sld [smem:$0x10];
	[sflag:s15] =	ssyncset.done $0x0  }
0x95: {  	s17 =	sld [smem:$0x11];
	[sflag:s15] =	ssyncadd.s32 $0xFFFFFFFF  }
0x96: {  	s18 =	sld [smem:$0x12];
	(tm) =	ssettm $0x1  }
0x97: {  	s5 =	sld [smem:$0x3FFB];
	_ =	sdelay $0x3  }
0x98: {  	_ =	strace s5  }
0x99: {  	s5 =	sld [smem:$0x3FFC];
	_ =	sdelay $0x3  }
0x9a: {  	_ =	strace s5  }
0x9b: {  	s5 =	sld [smem:$0x3FFD];
	_ =	sdelay $0x3  }
0x9c: {  	_ =	strace s5  }
0x9d: {  	_ =	strace $0x8FFFFFFF  }
0x9e: {  	s19 =	sld [smem:$0x3FDB];
	_ =	sdelay $0x1  }
0x9f: {  	s6 =	simm.s32 $_scs_section_size  }
0xa0: {  	s7 =	simm.s32 $_size__tile_overlayer_lowered;
	s8 =	simm.s32 $_tile_overlayer_lowered  }
0xa1: {  	s22 =	simm.s32 $0x1BFF;
	s21 =	sshll.u32 s8, $0x1;
	s5 =	sadd.s32 s6, s19  }
0xa2: {  	s9 =	simm.s32 $0x0;
	s20 =	sshll.u32 s7, $0x1;
	s7 =	sadd.s32 s21, s5  }
0xa3: {  	[timem:s9], [sflag:s22] =	dma.local [hbm:s7], s20  }
0xa4: {  	_ =	swait.ge [sflag:s22], s20  }
0xa5: {  	s6 =	ssub.s32 $0x0, s20;
	[sflag:s22] =	ssyncset.done $0x0  }
0xa6: {  	[sflag:s22] =	ssyncadd.s32 s6;
	_ =	sdelay $0x1  }
0xa7: {  	s23 =	simm.s32 $0x1B8B  }
0xa8: {  	_ =	swait.ge [sflag:s23], $0x1  }
0xa9: {  	[sflag:s23] =	ssyncset.done $0x0  }
0xaa: {  	s25 =	simm.s32 $0x1B8E;
	s24 =	sld [smem:$0x3FFE];
	[sflag:s23] =	ssyncadd.s32 $0xFFFFFFFF  }
0xab: {  	s26 =	simm.s32 $execute0_lowered;
	[smem:$0x3FD2] =	sst s25  }
0xac: {  	s7 =	sshll.u32 s26, $0x1;
	_ =	strace $0x80000046;
	[dreg:$0x1] =	wrdreg $0xFFFFFFFF  }
0xad: {  	s28 =	simm.s32 $_size_execute0_lowered;
	s5 =	sadd.s32 s5, s7;
	[dreg:$0x0] =	wrdreg $0x0  }
0xae: {  	s7 =	sshll.u32 s28, $0x1;
	[dreg:$0x2] =	wrdreg s5  }
0xaf: {  	[dreg:$0x3] =	wrdreg s7  }
0xb0: {  	[dreg:$0x4] =	wrdreg $0xC0  }
0xb1: {  	_ =	task [dreg:s9], $0x5FFFF  }
0xb2: {  	[dreg:$0x1] =	wrdreg $0xFFFFFFFF  }
0xb3: {  	[dreg:$0x0] =	wrdreg $0x60  }
0xb4: {  	[dreg:$0x2] =	wrdreg s24  }
0xb5: {  	[dreg:$0x3] =	wrdreg s18  }
0xb6: {  	[dreg:$0x4] =	wrdreg s16  }
0xb7: {  	[dreg:$0x5] =	wrdreg s17  }
0xb8: {  	[dreg:$0x6] =	wrdreg $0x9  }
0xb9: {  	_ =	task.clear_ibuf [dreg:s9], $0x7FFFF;
	_ =	strace $0x90000046  }
0xba: {  	s29 =	simm.s32 $0x9;
	_ =	strace $0x80000048  }
0xbb: {  	_ =	swait.ge [sflag:s29], $0x1  }
0xbc: {  	[sflag:s29] =	ssyncadd.s32 $0xFFFFFFFF  }
0xbd: {  	_ =	strace $0x90000048  }
0xbe: {  	_ =	sfence  }
0xbf: {  	s30 =	sld [smem:$0x0];
	_ =	sdelay $0x2  }
0xc0: {  	s31 =	sshll.u32 s1, $0xD;
	s1 =	sshrl.u32 s1, $0x2  }
0xc1: {  	s3 =	sand.u32 $0x4000, s31;
	s1 =	sadd.s32 s1, s30  }
0xc2: {  	s0 =	sor.u32 s3, s0;
	s1 =	sshll.u32 s1, $0x11  }
0xc3: {  	s0 =	sor.u32 s1, s0  }
0xc4: {  	s0 =	sadd.s32 $0x8F2B, s0  }
0xc5: {  	[sflag:s0] =	ssyncadd.remote.s32 $0x1  }
0xc6: {  	_ =	sfence.sel $0xFFFF  }
0xc7: {  	[dreg:$0x0] =	wrdreg $0xFFFFFFFF;
	(pc) =	sbr.abs _section_cstart, $3  }
0xc8: {  	[dreg:$0x1] =	wrdreg $0xFFFFFFFF  }
0xc9: {  	_ =	task.clear_ibuf [dreg:s9], $0x2FFFF;
	_ =	strace $0x9FFFFFFF  }
0xca: {  	(tm) =	ssettm $0x7FFFFFFF  }
0xcb: {  	_ =	shalt  }
tec
execute0_lowered:
.L_overlay_start_1:
0x0: {  	(tag) =	ssettag $0x1  }
0x1: {  	s3 =	rddreg [dreg:$0x0]  }
0x2: {  	s0 =	stileid.u32;
	s6 =	rddreg [dreg:$0x1]  }
0x3: {  	s1 =	srdreg.scid;
	s7 =	rddreg [dreg:$0x2]  }
0x4: {  	s8 =	rddreg [dreg:$0x3];
	s16 =	simm.s32 $0x1C80;
	s17 =	simm.s32 $0x3900  }
0x5: {  	s2 =	sshll.u32 s0, $0x1;
	s4 =	sand.u32 $0x1, s1;
	s1 =	rddreg [dreg:$0x4]  }
0x6: {  	s9 =	sshrl.u32 s0, $0x1;
	s28 =	sand.u32 $0x2, s2;
	s2 =	simm.s32 $0x0  }
0x7: {  	s11 =	smul.u32 $0x5540, s9;
	s12 =	sshll.u32 s9, $0x5;
	s13 =	sshll.u32 s9, $0x3  }
0x8: {  	s14 =	sshll.u32 s9, $0x2;
	s9 =	smul.u32 $0x1550, s9;
	s18 =	sor.u32 s4, s28  }
0x9: {  	[smem:$0x7FF] =	sst s2;
	s12 =	sadd.s32 s12, s3;
	s5 =	smul.u32 $0x370, s18  }
0xa: {  	s13 =	sadd.s32 s13, s3;
	s4 =	ssub.s32 $0x2, s4;
	s10 =	smul.u32 $0x560, s18  }
0xb: {  	_ =	strace $0x80000047;
	s29 =	sshrl.u32 s4, $0x1;
	s30 =	sor.u32 s14, s18  }
0xc: {  	s14 =	simm.s32 $0x1;
	p0 =	seq.s32 s18, $0x3;
	s18 =	simm.s32 $0x0  }
0xd: {  	s31 =	ssub.s32 s4, s29;
	s4 =	sadd.s32 $0xC00, s12;
	s11 =	sadd.s32 s11, s10  }
0xe: {  	s5 =	sadd.s32 s5, s3;
	s9 =	sadd.s32 s9, s10;
	s11 =	sshrl.u32 s11, $0x3  }
.Ltmp0:
0xf: {  	s9 =	sshrl.u32 s9, $0x3;
	s15 =	sadd.s32 s11, s3;
	(pc) =	sbr.rel .LBB2_1-.Ltmp0, $4  }
0x10: {  	s11 =	smul.u32 $0xB0, s30;
	s3 =	sadd.s32 $0x1000, s5;
	s5 =	sadd.s32 $0xE00, s13  }
0x11: {  	s7 =	sadd.s32 s7, s9;
	s8 =	sadd.s32 s8, s9;
	s13 =	smax.u32 s31, $0x1  }
0x12: {  	s9 =	sadd.s32 $0x1E00, s15;
	s10 =	sadd.s32 $0x20AA, s15;
	s12 =	sadd.s32 $0x25FE, s15  }
0x13: {  	v0 =	vimm.s32 $0x0;
	vm0 =	vmxor vm0, vm0;
	s6 =	sadd.s32 s6, s11;
	s11 =	sadd.s32 $0x2354, s15;
	s15 =	simm.s32 $0x1B80  }
.LBB2_21:
0x14: {  	s19 =	simm.s32 @p0 $0x0;
	s20 =	simm.s32 @p0 $0x3E80  }
0x15: {  	[hbm4b:s7+s19] =	stream.linear.scatter @p0 [tilespmem:s20], [sflag:$0x1], $0x530, $0x38;
	[tilespmem:$0x5F80] =	vst v63  }
0x16: {  	s20 =	simm.s32 @p0 $0x1  }
0x17: {  	_ =	swait.ge @p0 [sflag:s20], $0x530  }
0x18: {  	[sflag:s20] =	ssyncset.done @p0 $0x0  }
0x19: {  	s21 =	simm.s32 @p0 $0x4400;
	[sflag:s20] =	ssyncadd.s32 @p0 $0xFFFFFAD0  }
0x1a: {  	[hbm4b:s8+s19] =	stream.linear.scatter @p0 [tilespmem:s21], [sflag:$0x1], $0x530, $0x38;
	[tilespmem:$0x5F80] =	vst v63  }
0x1b: {  	_ =	swait.ge @p0 [sflag:s20], $0x530  }
0x1c: {  	[sflag:s20] =	ssyncset.done @p0 $0x0  }
0x1d: {  	s21 =	simm.s32 @p0 $0x4980;
	[sflag:s20] =	ssyncadd.s32 @p0 $0xFFFFFAD0  }
0x1e: {  	[hbm4b:s9+s19] =	stream.linear.scatter @p0 [tilespmem:s21], [sflag:$0x1], $0x530, $0x38;
	[tilespmem:$0x5F80] =	vst v63  }
0x1f: {  	_ =	swait.ge @p0 [sflag:s20], $0x530  }
0x20: {  	[sflag:s20] =	ssyncset.done @p0 $0x0  }
0x21: {  	s21 =	simm.s32 @p0 $0x4F00;
	[sflag:s20] =	ssyncadd.s32 @p0 $0xFFFFFAD0  }
0x22: {  	[hbm4b:s10+s19] =	stream.linear.scatter @p0 [tilespmem:s21], [sflag:$0x1], $0x530, $0x38;
	[tilespmem:$0x5F80] =	vst v63  }
0x23: {  	_ =	swait.ge @p0 [sflag:s20], $0x530  }
0x24: {  	[sflag:s20] =	ssyncset.done @p0 $0x0  }
0x25: {  	s21 =	simm.s32 @p0 $0x5480;
	[sflag:s20] =	ssyncadd.s32 @p0 $0xFFFFFAD0  }
0x26: {  	[hbm4b:s11+s19] =	stream.linear.scatter @p0 [tilespmem:s21], [sflag:$0x1], $0x530, $0x38;
	[tilespmem:$0x5F80] =	vst v63  }
0x27: {  	_ =	swait.ge @p0 [sflag:s20], $0x530  }
0x28: {  	[sflag:s20] =	ssyncset.done @p0 $0x0  }
0x29: {  	s21 =	simm.s32 @p0 $0x5A00;
	[sflag:s20] =	ssyncadd.s32 @p0 $0xFFFFFAD0  }
0x2a: {  	[hbm4b:s12+s19] =	stream.linear.scatter @p0 [tilespmem:s21], [sflag:$0x1], $0x530, $0x38;
	[tilespmem:$0x5F80] =	vst v63  }
0x2b: {  	_ =	swait.ge @p0 [sflag:s20], $0x530  }
0x2c: {  	[sflag:s20] =	ssyncset.done @p0 $0x0  }
0x2d: {  	s19 =	simm.s32 @!p0 $0x0;
	[sflag:s20] =	ssyncadd.s32 @p0 $0xFFFFFAD0;
	s20 =	simm.s32 @!p0 $0x3E80  }
0x2e: {  	[hbm4b:s7+s19] =	stream.linear.scatter @!p0 [tilespmem:s20], [sflag:$0x1], $0x560, $0x38;
	[tilespmem:$0x5F80] =	vst v63  }
0x2f: {  	s20 =	simm.s32 @!p0 $0x1  }
0x30: {  	_ =	swait.ge @!p0 [sflag:s20], $0x560  }
0x31: {  	[sflag:s20] =	ssyncset.done @!p0 $0x0  }
0x32: {  	s21 =	simm.s32 @!p0 $0x4400;
	[sflag:s20] =	ssyncadd.s32 @!p0 $0xFFFFFAA0  }
0x33: {  	[hbm4b:s8+s19] =	stream.linear.scatter @!p0 [tilespmem:s21], [sflag:$0x1], $0x560, $0x38;
	[tilespmem:$0x5F80] =	vst v63  }
0x34: {  	_ =	swait.ge @!p0 [sflag:s20], $0x560  }
0x35: {  	[sflag:s20] =	ssyncset.done @!p0 $0x0  }
0x36: {  	s21 =	simm.s32 @!p0 $0x4980;
	[sflag:s20] =	ssyncadd.s32 @!p0 $0xFFFFFAA0  }
0x37: {  	[hbm4b:s9+s19] =	stream.linear.scatter @!p0 [tilespmem:s21], [sflag:$0x1], $0x560, $0x38;
	[tilespmem:$0x5F80] =	vst v63  }
0x38: {  	_ =	swait.ge @!p0 [sflag:s20], $0x560  }
0x39: {  	[sflag:s20] =	ssyncset.done @!p0 $0x0  }
0x3a: {  	s21 =	simm.s32 @!p0 $0x4F00;
	[sflag:s20] =	ssyncadd.s32 @!p0 $0xFFFFFAA0  }
0x3b: {  	[hbm4b:s10+s19] =	stream.linear.scatter @!p0 [tilespmem:s21], [sflag:$0x1], $0x560, $0x38;
	[tilespmem:$0x5F80] =	vst v63  }
0x3c: {  	_ =	swait.ge @!p0 [sflag:s20], $0x560  }
0x3d: {  	[sflag:s20] =	ssyncset.done @!p0 $0x0  }
0x3e: {  	s21 =	simm.s32 @!p0 $0x5480;
	[sflag:s20] =	ssyncadd.s32 @!p0 $0xFFFFFAA0  }
0x3f: {  	[hbm4b:s11+s19] =	stream.linear.scatter @!p0 [tilespmem:s21], [sflag:$0x1], $0x560, $0x38;
	[tilespmem:$0x5F80] =	vst v63  }
0x40: {  	s18 =	sadd.s32 $0x1, s18;
	_ =	swait.ge @!p0 [sflag:s20], $0x560  }
0x41: {  	p1 =	sne.s32 s18, s13;
	[sflag:s20] =	ssyncset.done @!p0 $0x0  }
.Ltmp1:
0x42: {  	s21 =	simm.s32 @!p0 $0x5A00;
	[sflag:s20] =	ssyncadd.s32 @!p0 $0xFFFFFAA0;
	(pc) =	sbr.rel @!p1 .LBB2_22-.Ltmp1, $4  }
0x43: {  	[hbm4b:s12+s19] =	stream.linear.scatter @!p0 [tilespmem:s21], [sflag:$0x1], $0x560, $0x38;
	[tilespmem:$0x5F80] =	vst v63  }
0x44: {  	_ =	swait.ge @!p0 [sflag:s20], $0x560  }
0x45: {  	[sflag:s20] =	ssyncset.done @!p0 $0x0  }
0x46: {  	[sflag:s20] =	ssyncadd.s32 @!p0 $0xFFFFFAA0  }
.LBB2_1:
0x47: {  	[tilespmem:s2], [sflag:$0x1] =	stream.linear.gather [hbm4b:s3+s2], $0x1B80, $0x38;
	[tilespmem:$0x5F80] =	vst v63  }
0x48: {  	_ =	swait.ge [sflag:s14], $0x1B80  }
0x49: {  	[sflag:s14] =	ssyncset.done $0x0  }
0x4a: {  	[sflag:s14] =	ssyncadd.s32 $0xFFFFE480  }
0x4b: {  	[tilespmem:s15], [sflag:$0x1] =	stream.linear.gather [hbm4b:s4+s2], $0x100, $0x38;
	[tilespmem:$0x5F80] =	vst v63  }
0x4c: {  	_ =	swait.ge [sflag:s14], $0x100  }
0x4d: {  	[sflag:s14] =	ssyncset.done $0x0  }
0x4e: {  	[sflag:s14] =	ssyncadd.s32 $0xFFFFFF00  }
0x4f: {  	[tilespmem:s16], [sflag:$0x1] =	stream.linear.gather [hbm4b:s5+s2], $0x40, $0x38;
	[tilespmem:$0x5F80] =	vst v63  }
0x50: {  	_ =	swait.ge [sflag:s14], $0x40  }
0x51: {  	[sflag:s14] =	ssyncset.done $0x0  }
0x52: {  	[sflag:s14] =	ssyncadd.s32 $0xFFFFFFC0  }
0x53: {  	[tilespmem:s17], [sflag:$0x1] =	stream.linear.gather [hbm4b:s6+s2], $0x580, $0x38;
	[tilespmem:$0x5F80] =	vst v63  }
0x54: {  	_ =	swait.ge [sflag:s14], $0x580  }
0x55: {  	[sflag:s14] =	ssyncset.done $0x0  }
0x56: {  	s19 =	simm.s32 $0x0;
	s20 =	simm.s32 $0x0;
	[sflag:s14] =	ssyncadd.s32 $0xFFFFFA80  }
.LBB2_2:
0x57: {  	s21 =	sshra.s32 s19, $0x2  }
0x58: {  	v1 =	vld [tilespmem:s21+$0x1B80];
	_ =	sdelay $0x4  }
0x59: {  	(v2sf) =	vpush v1, $0x0  }
0x5a: {  	(v2sf) =	vpush v1, $0x1  }
0x5b: {  	(v2sf) =	vpush v1, $0x2  }
0x5c: {  	(v2sf) =	vpush v1, $0x3;
	_ =	sdelay $0x2  }
0x5d: {  	(v2sf) =	vpush v1, $0x4  }
0x5e: {  	(v2sf) =	vpush v1, $0x5  }
0x5f: {  	(v2sf) =	vpush v1, $0x6;
	_ =	sdelay $0x1  }
0x60: {  	(v2sf) =	vpush v1, $0x7;
	_ =	sdelay $0x2  }
0x61: {  	(v2sf) =	vpush v1, $0x8  }
0x62: {  	(v2sf) =	vpush v1, $0x9  }
0x63: {  	(v2sf) =	vpush v1, $0xA;
	s22 =	spop (v2sf)  }
0x64: {  	(v2sf) =	vpush v1, $0xB;
	s23 =	spop (v2sf)  }
0x65: {  	v2 =	vbroadcast v1, $0x0;
	(v2sf) =	vpush v1, $0xC;
	s24 =	spop (v2sf)  }
0x66: {  	s21 =	sshra.s32 s20, $0x2;
	v3 =	vbroadcast v1, $0x1;
	(v2sf) =	vpush v1, $0xD;
	s25 =	spop (v2sf);
	s22 =	sadd.f32 s24, s22  }
0x67: {  	s29 =	sand.u32 $0x3C0, s19;
	[tilespmem:s21+$0x1D00] =	vst v2;
	v2 =	vbroadcast v1, $0x2;
	(v2sf) =	vpush v1, $0xE;
	s23 =	sadd.f32 s25, s23  }
0x68: {  	[tilespmem:s29+$0x2100] =	vst v3;
	v3 =	vbroadcast v1, $0x3;
	s22 =	smul.f32 $5.000000000e-01, s22  }
0x69: {  	[tilespmem:s29+$0x2500] =	vst v2;
	s30 =	spop (v2sf);
	(v2sf) =	vpush v1, $0xF;
	s23 =	smul.f32 $5.000000000e-01, s23  }
0x6a: {  	[tilespmem:s29+$0x2900] =	vst v3;
	s26 =	spop (v2sf);
	v2 =	vmov s22  }
0x6b: {  	v3 =	vbroadcast v1, $0x4;
	s31 =	spop (v2sf);
	[tilespmem:s29+$0x2D00] =	vst v2;
	v2 =	vmov s23  }
0x6c: {  	s22 =	sadd.f32 s31, s30;
	[tilespmem:s29+$0x3100] =	vst v2;
	v2 =	vbroadcast v1, $0x5  }
0x6d: {  	s28 =	spop (v2sf);
	[tilespmem:s21+$0x1D10] =	vst v3;
	v3 =	vbroadcast v1, $0x6  }
0x6e: {  	s23 =	sadd.f32 s28, s26;
	s22 =	smul.f32 $5.000000000e-01, s22;
	[tilespmem:s21+$0x2110] =	vst v2;
	v2 =	vbroadcast v1, $0x7  }
0x6f: {  	[tilespmem:s21+$0x2510] =	vst v3  }
0x70: {  	s29 =	spop (v2sf);
	s23 =	smul.f32 $5.000000000e-01, s23;
	v3 =	vbroadcast v1, $0x8;
	[tilespmem:s21+$0x2910] =	vst v2;
	v2 =	vmov s22  }
0x71: {  	s30 =	spop (v2sf);
	[tilespmem:s21+$0x2D10] =	vst v2  }
0x72: {  	s31 =	spop (v2sf);
	v2 =	vmov s23;
	[tilespmem:s21+$0x1D20] =	vst v3;
	v3 =	vbroadcast v1, $0xA  }
0x73: {  	s22 =	sadd.f32 s31, s29;
	s26 =	spop (v2sf);
	[tilespmem:s21+$0x3110] =	vst v2;
	v2 =	vbroadcast v1, $0x9  }
0x74: {  	s23 =	sadd.f32 s26, s30;
	s28 =	spop (v2sf);
	[tilespmem:s21+$0x2520] =	vst v3;
	v3 =	vbroadcast v1, $0xC  }
0x75: {  	s22 =	smul.f32 $5.000000000e-01, s22;
	[tilespmem:s21+$0x2120] =	vst v2;
	v2 =	vbroadcast v1, $0xB;
	s29 =	spop (v2sf)  }
0x76: {  	s23 =	smul.f32 $5.000000000e-01, s23;
	s30 =	spop (v2sf);
	[tilespmem:s21+$0x1D30] =	vst v3  }
0x77: {  	[tilespmem:s21+$0x2920] =	vst v2;
	v2 =	vmov s22;
	s22 =	sadd.f32 s30, s28  }
0x78: {  	v3 =	vbroadcast v1, $0xE;
	s31 =	spop (v2sf);
	[tilespmem:s21+$0x2D20] =	vst v2;
	v2 =	vmov s23  }
0x79: {  	p1 =	sne.s32 s20, $0xF00;
	s23 =	sadd.f32 s31, s29;
	[tilespmem:s21+$0x3120] =	vst v2;
	v2 =	vbroadcast v1, $0xD;
	s22 =	smul.f32 $5.000000000e-01, s22  }
.Ltmp2:
0x7a: {  	[tilespmem:s21+$0x2530] =	vst v3;
	v1 =	vbroadcast v1, $0xF;
	(pc) =	sbr.rel @p1 .LBB2_2-.Ltmp2, $4  }
0x7b: {  	s23 =	smul.f32 $5.000000000e-01, s23;
	[tilespmem:s21+$0x2130] =	vst v2  }
0x7c: {  	[tilespmem:s21+$0x2930] =	vst v1;
	v1 =	vmov s22  }
0x7d: {  	[tilespmem:s21+$0x2D30] =	vst v1;
	v1 =	vmov s23  }
0x7e: {  	s19 =	sadd.s32 $0x40, s19;
	s20 =	sadd.s32 $0x100, s20;
	[tilespmem:s21+$0x3130] =	vst v1  }
0x7f: {  	s19 =	simm.s32 $0x0  }
0x80: {  	v1 =	vld [tilespmem:s19+$0x1C80];
	_ =	sdelay $0x4  }
0x81: {  	v2 =	vbroadcast v1, $0x0  }
0x82: {  	s20 =	simm.s32 $0x3580;
	v3 =	vbroadcast v1, $0x1  }
0x83: {  	v4 =	vbroadcast v1, $0x2;
	[tilespmem:s20+$0xFFFFFF80] =	vst v2  }
0x84: {  	v60 =	vbroadcast v1, $0x5;
	[tilespmem:s20+$0xFFFFFF90] =	vst v3  }
0x85: {  	v61 =	vbroadcast v1, $0x8;
	[tilespmem:s20+$0xFFFFFFA0] =	vst v4  }
0x86: {  	v62 =	vbroadcast v1, $0xB;
	[tilespmem:s20+$0xFFFFFFD0] =	vst v60  }
0x87: {  	v63 =	vbroadcast v1, $0xE;
	[tilespmem:s20+$0x0] =	vst v61  }
0x88: {  	v2 =	vbroadcast v1, $0x3;
	[tilespmem:s20+$0x30] =	vst v62  }
0x89: {  	v3 =	vbroadcast v1, $0x4;
	[tilespmem:s20+$0x60] =	vst v63  }
0x8a: {  	[tilespmem:s20+$0xFFFFFFB0] =	vst v2;
	v2 =	vbroadcast v1, $0x6  }
0x8b: {  	[tilespmem:s20+$0xFFFFFFC0] =	vst v3;
	v3 =	vbroadcast v1, $0x7  }
0x8c: {  	[tilespmem:s20+$0xFFFFFFE0] =	vst v2;
	v2 =	vbroadcast v1, $0x9  }
0x8d: {  	[tilespmem:s20+$0xFFFFFFF0] =	vst v3;
	v3 =	vbroadcast v1, $0xA  }
0x8e: {  	[tilespmem:s20+$0x10] =	vst v2;
	v2 =	vbroadcast v1, $0xC  }
0x8f: {  	[tilespmem:s20+$0x20] =	vst v3;
	v3 =	vbroadcast v1, $0xD  }
0x90: {  	v1 =	vbroadcast v1, $0xF;
	[tilespmem:s20+$0x40] =	vst v2  }
0x91: {  	[tilespmem:s20+$0x50] =	vst v3  }
0x92: {  	s22 =	simm.s32 $0x10;
	s21 =	simm.s32 $0x80;
	s19 =	simm.s32 $0x0;
	[tilespmem:s20+$0x70] =	vst v1  }
.LBB2_4:
0x93: {  	p1 =	sne.s32 s21, $0xC0;
	v1 =	vld [tilespmem:s22+$0x1C80];
	_ =	sdelay $0x4  }
0x94: {  	v2 =	vbroadcast v1, $0x0;
	v3 =	vbroadcast v1, $0x1  }
0x95: {  	s20 =	sadd.s32 $0x100, s20;
	v4 =	vbroadcast v1, $0x2;
	v5 =	vbroadcast v1, $0x3  }
0x96: {  	v6 =	vbroadcast v1, $0x5;
	[tilespmem:s20+$0xFFFFFF80] =	vst v2;
	v2 =	vbroadcast v1, $0x4  }
0x97: {  	v7 =	vbroadcast v1, $0x7;
	[tilespmem:s20+$0xFFFFFF90] =	vst v3;
	v3 =	vbroadcast v1, $0x6  }
0x98: {  	v8 =	vbroadcast v1, $0x9;
	[tilespmem:s20+$0xFFFFFFA0] =	vst v4;
	v4 =	vbroadcast v1, $0x8  }
0x99: {  	v9 =	vbroadcast v1, $0xB;
	[tilespmem:s20+$0xFFFFFFB0] =	vst v5;
	v5 =	vbroadcast v1, $0xA  }
0x9a: {  	v10 =	vbroadcast v1, $0xD;
	[tilespmem:s20+$0xFFFFFFC0] =	vst v2;
	v2 =	vbroadcast v1, $0xC  }
0x9b: {  	[tilespmem:s20+$0xFFFFFFD0] =	vst v6;
	v6 =	vbroadcast v1, $0xE;
	v1 =	vbroadcast v1, $0xF  }
0x9c: {  	[tilespmem:s20+$0xFFFFFFE0] =	vst v3  }
0x9d: {  	[tilespmem:s20+$0xFFFFFFF0] =	vst v7  }
0x9e: {  	[tilespmem:s20+$0x0] =	vst v4  }
0x9f: {  	[tilespmem:s20+$0x10] =	vst v8  }
0xa0: {  	[tilespmem:s20+$0x20] =	vst v5  }
.Ltmp3:
0xa1: {  	[tilespmem:s20+$0x30] =	vst v9;
	(pc) =	sbr.rel @p1 .LBB2_4-.Ltmp3, $4  }
0xa2: {  	[tilespmem:s20+$0x40] =	vst v2  }
0xa3: {  	[tilespmem:s20+$0x50] =	vst v10  }
0xa4: {  	[tilespmem:s20+$0x60] =	vst v6  }
0xa5: {  	s22 =	sshra.s32 s21, $0x2;
	s21 =	sadd.s32 $0x40, s21;
	[tilespmem:s20+$0x70] =	vst v1  }
0xa6: {  	v1 =	vld [tilespmem:s22+$0x1C80];
	_ =	sdelay $0x4  }
0xa7: {  	v2 =	vbroadcast v1, $0x0  }
0xa8: {  	s20 =	sadd.s32 $0x100, s20;
	v3 =	vbroadcast v1, $0x1  }
0xa9: {  	v4 =	vbroadcast v1, $0x2;
	[tilespmem:s20+$0xFFFFFF80] =	vst v2  }
0xaa: {  	v60 =	vbroadcast v1, $0x5;
	[tilespmem:s20+$0xFFFFFF90] =	vst v3  }
0xab: {  	v61 =	vbroadcast v1, $0x8;
	[tilespmem:s20+$0xFFFFFFA0] =	vst v4  }
0xac: {  	v62 =	vbroadcast v1, $0xB;
	[tilespmem:s20+$0xFFFFFFD0] =	vst v60  }
0xad: {  	v63 =	vbroadcast v1, $0xE;
	[tilespmem:s20+$0x0] =	vst v61  }
0xae: {  	v2 =	vbroadcast v1, $0x3;
	[tilespmem:s20+$0x30] =	vst v62  }
0xaf: {  	v3 =	vbroadcast v1, $0x4;
	[tilespmem:s20+$0x60] =	vst v63  }
0xb0: {  	[tilespmem:s20+$0xFFFFFFB0] =	vst v2;
	v2 =	vbroadcast v1, $0x6  }
0xb1: {  	[tilespmem:s20+$0xFFFFFFC0] =	vst v3;
	v3 =	vbroadcast v1, $0x7  }
0xb2: {  	[tilespmem:s20+$0xFFFFFFE0] =	vst v2;
	v2 =	vbroadcast v1, $0x9  }
0xb3: {  	[tilespmem:s20+$0xFFFFFFF0] =	vst v3;
	v3 =	vbroadcast v1, $0xA  }
.Ltmp4:
0xb4: {  	[tilespmem:s20+$0x10] =	vst v2;
	v2 =	vbroadcast v1, $0xC;
	(pc) =	sbr.rel .LBB2_6-.Ltmp4, $4  }
0xb5: {  	[tilespmem:s20+$0x20] =	vst v3;
	v3 =	vbroadcast v1, $0xD  }
0xb6: {  	v1 =	vbroadcast v1, $0xF;
	[tilespmem:s20+$0x40] =	vst v2  }
0xb7: {  	[tilespmem:s20+$0x50] =	vst v3  }
0xb8: {  	[tilespmem:s20+$0x70] =	vst v1  }
.LBB2_7:
0xb9: {  	v1 =	vimm.f32 $-1.000000000e+00;
	[tilespmem:s20+$0x3E80] =	vst v0  }
0xba: {  	[tilespmem:s20+$0x4400] =	vst v1  }
0xbb: {  	[tilespmem:s20+$0x4980] =	vst v1  }
0xbc: {  	[tilespmem:s20+$0x4F00] =	vst v1  }
0xbd: {  	[tilespmem:s20+$0x5480] =	vst v1  }
.LBB2_20:
0xbe: {  	s19 =	sadd.s32 $0x1, s19  }
0xbf: {  	p1 =	sne.s32 s19, $0x58  }
.Ltmp5:
0xc0: {  	_ = 	snop;
	(pc) =	sbr.rel @!p1 .LBB2_21-.Ltmp5, $2  }
0xc1: {  	_ =	sdelay $0x2  }
0xc2: {  	[tilespmem:s20+$0x5A00] =	vst v1  }
.LBB2_6:
0xc3: {  	s20 =	sshll.u32 s19, $0x4  }
0xc4: {  	v1 =	vld [tilespmem:s20+$0x3900];
	_ =	sdelay $0x4  }
0xc5: {  	(v2sf) =	vpush v1, $0x0  }
0xc6: {  	(v2sf) =	vpush v1, $0x1;
	_ =	sdelay $0xd  }
0xc7: {  	s22 =	spop (v2sf)  }
0xc8: {  	s21 =	spop (v2sf)  }
0xc9: {  	s23 =	sor.u32 s21, s22  }
0xca: {  	p1 =	sne.s32 s23, $0x0  }
.Ltmp6:
0xcb: {  	_ = 	snop;
	(pc) =	sbr.rel @!p1 .LBB2_7-.Ltmp6, $1  }
0xcc: {  	_ =	sdelay $0x3  }
0xcd: {  	v1 =	vmov s22  }
0xce: {  	v2 =	vmov s21;
	v1 =	vpcnt v1  }
0xcf: {  	(v2sf) =	vpush v1, $0x0;
	v1 =	vpcnt v2  }
0xd0: {  	(v2sf) =	vpush v1, $0x0;
	_ =	sdelay $0xd  }
0xd1: {  	s23 =	spop (v2sf)  }
0xd2: {  	s25 =	spop (v2sf)  }
0xd3: {  	s25 =	sadd.s32 s25, s23  }
0xd4: {  	p1 =	seq.s32 s25, $0x0  }
.Ltmp7:
0xd5: {  	v7 =	vld [tilespmem:s20+$0x0];
	s24 =	sand.u32 $0x7F0, s20;
	(pc) =	sbr.rel @p1 .LBB2_9-.Ltmp7, $4  }
0xd6: {  	v8 =	vld [tilespmem:s24+$0x580]  }
0xd7: {  	v6 =	vld [tilespmem:s24+$0xB00]  }
0xd8: {  	v4 =	vld [tilespmem:s24+$0x1080]  }
0xd9: {  	v3 =	vimm.f32 $2.000000000e+08;
	v5 =	vld [tilespmem:s24+$0x1600];
	v2 =	vimm.s32 $0x0;
	v1 =	vimm.f32 $0.0e+00  }
0xda: {  	p1 =	seq.s32 s22, $0x0;
	s23 =	smov.u32 s22  }
0xdb: {  	s23 =	smov.u32 @p1 s21  }
0xdc: {  	s24 =	ssub.s32 $0x0, s23  }
0xdd: {  	s24 =	sand.u32 s24, s23  }
0xde: {  	s26 =	scvt.s32.f32 s24  }
0xdf: {  	p3 =	sne.s32 s25, $0x1;
	p2 =	por $0x0, $0x0  }
.Ltmp8:
0xe0: {  	s23 =	sxor.u32 s22, s24;
	s31 =	sshrl.u32 s26, $0x13;
	(pc) =	sbr.rel @!p3 .LBB2_11-.Ltmp8, $4  }
0xe1: {  	s24 =	simm.s32 @!p1 $0x0;
	s26 =	simm.s32 $0x200;
	s22 =	sand.u32 $0xFF0, s31  }
0xe2: {  	s24 =	sxor.u32 s21, s24;
	s26 =	simm.s32 @!p1 $0x0;
	s22 =	sadd.s32 $0xFFFFF810, s22  }
0xe3: {  	s21 =	sadd.s32 $0xFFFFFFFF, s25;
	s23 =	simm.s32 @p1 $0x0;
	s26 =	sadd.s32 s26, s22  }
0xe4: {  	p1 =	por $0x0, $0x0;
	s25 =	sand.u32 $0x70, s22;
	s28 =	sand.u32 $0xFFFFFF80, s26  }
0xe5: {  	p1 =	seq.s32 s23, $0x0;
	s22 =	sor.u32 s25, s28;
	s25 =	smov.u32 s23  }
0xe6: {  	s25 =	smov.u32 @p1 s24;
	v9 =	vld [tilespmem:s22+$0x2900]  }
0xe7: {  	v10 =	vld [tilespmem:s22+$0x2500];
	s26 =	ssub.s32 $0x0, s25  }
0xe8: {  	v11 =	vld [tilespmem:s22+$0x2100];
	s25 =	sand.u32 s26, s25  }
0xe9: {  	v13 =	vld [tilespmem:s22+$0x2D00];
	s26 =	scvt.s32.f32 s25  }
0xea: {  	p3 =	sne.s32 s21, $0x1  }
.Ltmp9:
0xeb: {  	s28 =	simm.s32 $0x200;
	s26 =	sshrl.u32 s26, $0x13;
	(pc) =	sbr.rel @!p3 .LBB2_13-.Ltmp9, $4  }
0xec: {  	s23 =	sxor.u32 s23, s25;
	s25 =	simm.s32 @!p1 $0x0;
	v10 =	vsub.f32 v10, v7;
	s30 =	sand.u32 $0xFF0, s26  }
0xed: {  	s28 =	simm.s32 @!p1 $0x0;
	s24 =	sxor.u32 s24, s25;
	v9 =	vsub.f32 v9, v8;
	v11 =	vsub.f32 v8, v11;
	s25 =	sadd.s32 $0xFFFFF810, s30  }
0xee: {  	v19 =	vld [tilespmem:s22+$0x1D00];
	s23 =	simm.s32 @p1 $0x0;
	p1 =	por $0x1, $0x1;
	v24 =	vsub.f32 v7, v13;
	s31 =	sadd.s32 s28, s25  }
0xef: {  	v23 =	vld [tilespmem:s22+$0x3100];
	s26 =	sadd.s32 $0xFFFFFFFF, s21;
	v14 =	vmin.f32 v10, v9;
	v15 =	vmax.f32 v10, v9;
	v12 =	vadd.f32 v9, v11;
	s25 =	sand.u32 $0x70, s25;
	s28 =	sand.u32 $0xFFFFFF80, s31  }
0xf0: {  	s21 =	sor.u32 s25, s28  }
0xf1: {  	v17 =	vld [tilespmem:s21+$0x2900]  }
0xf2: {  	v18 =	vld [tilespmem:s21+$0x2500]  }
0xf3: {  	v13 =	vsub.f32 v7, v19  }
0xf4: {  	p2 =	seq.s32 s23, $0x0;
	s25 =	smov.u32 s23;
	v16 =	vsub.f32 v8, v23  }
0xf5: {  	v21 =	vand.u32 $0x7FFFFFFF, v24;
	s25 =	smov.u32 @p2 s24;
	v20 =	vadd.f32 v10, v13;
	v22 =	vmin.f32 v13, v11  }
0xf6: {  	s28 =	ssub.s32 $0x0, s25;
	v19 =	vld [tilespmem:s21+$0x2100];
	v23 =	vmax.f32 v13, v11;
	v16 =	vand.u32 $0x7FFFFFFF, v16;
	v14 =	vmin.f32 v22, v14  }
0xf7: {  	s25 =	sand.u32 s28, s25;
	v15 =	vmax.f32 v23, v15;
	v26 =	vsub.f32 v18, v7;
	v25 =	vsub.f32 v17, v8  }
0xf8: {  	s28 =	scvt.s32.f32 s25;
	v17 =	vimm.f32 $0.0e+00;
	v18 =	vimm.s32 $0x0;
	v22 =	vimm.f32 $0.0e+00  }
0xf9: {  	p3 =	sne.s32 s26, $0x1;
	v16 =	vmax.f32 v21, v16;
	v21 =	vld [tilespmem:s21+$0x2D00];
	vm2 =	vgt.f32 v14, $0.0e+00;
	vm3 =	vgt.f32 v15, v6  }
.Ltmp10:
0xfa: {  	s23 =	sxor.u32 s23, s25;
	s28 =	sshrl.u32 s28, $0x13;
	v23 =	vld [tilespmem:s21+$0x3100];
	vm4 =	vle.f32 v15, v4;
	vm1 =	vlt.f32 v16, v5;
	vm2 =	vmand vm2, vm3;
	(pc) =	sbr.rel @!p3 .LBB2_15-.Ltmp10, $4  }
0xfb: {  	s25 =	simm.s32 @!p2 $0x0;
	s31 =	sand.u32 $0xFF0, s28;
	s28 =	simm.s32 $0x200;
	v27 =	vsub.f32 v8, v19;
	v16 =	vmul.f32 v12, v20;
	v19 =	vld [tilespmem:s21+$0x1D00];
	vm2 =	vmand vm4, vm2  }
0xfc: {  	v28 =	vld [tilespmem:s22+$0x3500];
	s24 =	sxor.u32 s24, s25;
	v14 =	vmin.f32 v26, v25;
	v15 =	vmax.f32 v26, v25;
	s28 =	simm.s32 @!p2 $0x0;
	s25 =	sadd.s32 $0xFFFFF810, s31;
	vm1 =	vmand vm2, vm1  }
0xfd: {  	s26 =	sadd.s32 $0xFFFFFFFF, s26;
	s23 =	simm.s32 @p2 $0x0;
	v20 =	vimm.f32 $0.0e+00;
	s28 =	sadd.s32 s28, s25;
	v12 =	vadd.f32 v25, v27;
	v29 =	vnsel vm1, $0x4CBEBC20, v16  }
0xfe: {  	p2 =	por $0x1, $0x1;
	s25 =	sand.u32 $0x70, s25;
	s28 =	sand.u32 $0xFFFFFF80, s28;
	v16 =	vimm.f32 $2.000000000e+08;
	v24 =	vsub.f32 v7, v21;
	v21 =	vimm.f32 $0.0e+00  }
.LBB2_16:
0xff: {  	p4 =	seq.s32 s23, $0x0  }
0x100: {  	p3 =	sne.s32 s26, $0x1;
	s22 =	sor.u32 s25, s28;
	v19 =	vsub.f32 v7, v19;
	v23 =	vsub.f32 v8, v23;
	vm1 =	vlt.f32 v29, v16;
	s25 =	smov.u32 s23  }
0x101: {  	s26 =	sadd.s32 $0xFFFFFFFF, s26;
	s25 =	smov.u32 @p4 s24;
	v30 =	vld [tilespmem:s22+$0x2900];
	v16 =	vsel vm1, v29, v16;
	v17 =	vsel vm1, v13, v17;
	v18 =	vsel vm1, v28, v18  }
0x102: {  	v21 =	vsel vm1, v11, v21;
	v22 =	vsel vm1, v10, v22;
	v20 =	vsel vm1, v9, v20;
	s28 =	ssub.s32 $0x0, s25;
	v28 =	vld [tilespmem:s22+$0x2500];
	v13 =	vmovc v19  }
0x103: {  	v32 =	vand.u32 $0x7FFFFFFF, v24;
	v10 =	vmovc v26;
	v9 =	vmovc v25;
	v23 =	vand.u32 $0x7FFFFFFF, v23;
	s25 =	sand.u32 s28, s25;
	v29 =	vld [tilespmem:s22+$0x2100];
	v31 =	vadd.f32 v26, v13  }
0x104: {  	v11 =	vmovc v27;
	v24 =	vmin.f32 v13, v27;
	v25 =	vmax.f32 v13, v27;
	v23 =	vmax.f32 v32, v23;
	s28 =	scvt.s32.f32 s25;
	s23 =	sxor.u32 s23, s25;
	s25 =	simm.s32 @!p4 $0x0;
	v19 =	vld [tilespmem:s22+$0x1D00]  }
0x105: {  	v14 =	vmin.f32 v24, v14;
	v15 =	vmax.f32 v25, v15;
	vm1 =	vlt.f32 v23, v5;
	s23 =	simm.s32 @p4 $0x0;
	s24 =	sxor.u32 s24, s25;
	v32 =	vld [tilespmem:s22+$0x2D00]  }
.Ltmp11:
0x106: {  	vm2 =	vgt.f32 v14, $0.0e+00;
	vm3 =	vgt.f32 v15, v6;
	vm4 =	vle.f32 v15, v4;
	s25 =	sshrl.u32 s28, $0x13;
	v23 =	vld [tilespmem:s22+$0x3100];
	(pc) =	sbr.rel @p3 .LBB2_16-.Ltmp11, $4  }
0x107: {  	v25 =	vsub.f32 v30, v8;
	vm2 =	vmand vm2, vm3;
	s25 =	sand.u32 $0xFF0, s25;
	v26 =	vsub.f32 v28, v7;
	v28 =	vld [tilespmem:s21+$0x3500];
	s21 =	smov.u32 s22;
	s22 =	simm.s32 $0x200  }
0x108: {  	vm2 =	vmand vm4, vm2;
	s22 =	simm.s32 @!p4 $0x0;
	s25 =	sadd.s32 $0xFFFFF810, s25;
	v27 =	vsub.f32 v8, v29;
	v29 =	vmul.f32 v12, v31  }
0x109: {  	vm1 =	vmand vm2, vm1;
	s22 =	sadd.s32 s22, s25;
	s25 =	sand.u32 $0x70, s25;
	v14 =	vmin.f32 v26, v25;
	v15 =	vmax.f32 v26, v25  }
0x10a: {  	s28 =	sand.u32 $0xFFFFFF80, s22;
	v12 =	vadd.f32 v25, v27;
	v24 =	vsub.f32 v7, v32;
	v29 =	vnsel vm1, $0x4CBEBC20, v29  }
0x10b: {  	v31 =	vmov v11  }
0x10c: {  	v32 =	vmovc v10;
	v30 =	vmovc v9;
	v10 =	vmov v26;
	v9 =	vmov v25;
	v11 =	vmov v27;
	s22 =	smov.u32 s21  }
.LBB2_18:
0x10d: {  	v19 =	vsub.f32 @p1 v7, v19  }
0x10e: {  	vm1 =	vlt.f32 @p2 v29, v16;
	v23 =	vsub.f32 @p1 v8, v23;
	v24 =	vand.u32 @p1 $0x7FFFFFFF, v24  }
0x10f: {  	s21 =	sor.u32 s25, s28;
	v9 =	vpsel p1, v9, v0;
	v16 =	vsel @p2 vm1, v29, v16;
	v13 =	vsel @p2 vm1, v13, v17  }
0x110: {  	v17 =	vsel @p2 vm1, v28, v18;
	v46 =	vld [tilespmem:s21+$0x2500];
	v21 =	vsel @p2 vm1, v31, v21;
	v22 =	vsel @p2 vm1, v32, v22  }
0x111: {  	v25 =	vld [tilespmem:s21+$0x2900];
	v20 =	vsel @p2 vm1, v30, v20;
	v26 =	vadd.f32 @p1 v10, v19;
	v23 =	vand.u32 @p1 $0x7FFFFFFF, v23  }
0x112: {  	v27 =	vld [tilespmem:s21+$0x2100];
	v28 =	vmin.f32 @p1 v19, v11;
	v29 =	vmax.f32 @p1 v19, v11;
	v16 =	vpsel p2, v16, v3  }
0x113: {  	v47 =	vld [tilespmem:s21+$0x2D00];
	v19 =	vpsel p1, v19, v0;
	v13 =	vpsel p2, v13, v1;
	v17 =	vpsel p2, v17, v2  }
0x114: {  	v18 =	vld @p1 [tilespmem:s22+$0x3500];
	v11 =	vpsel p1, v11, v0;
	v21 =	vpsel p2, v21, v1;
	v10 =	vpsel p1, v10, v0  }
0x115: {  	v51 =	vld [tilespmem:s21+$0x1D00];
	v22 =	vpsel p2, v22, v1;
	v20 =	vpsel p2, v20, v1;
	v23 =	vmax.f32 @p1 v24, v23  }
0x116: {  	v54 =	vld [tilespmem:s21+$0x3100];
	v14 =	vmin.f32 @p1 v28, v14;
	v15 =	vmax.f32 @p1 v29, v15;
	vm2 =	vlt.f32 @p1 v23, v5  }
0x117: {  	vm3 =	vgt.f32 @p1 v14, $0.0e+00;
	vm4 =	vgt.f32 @p1 v15, v6;
	v12 =	vmul.f32 @p1 v12, v26  }
0x118: {  	vm3 =	vmand @p1 vm3, vm4;
	vm4 =	vle.f32 @p1 v15, v4;
	v48 =	vsub.f32 v46, v7  }
0x119: {  	v49 =	vsub.f32 v25, v8;
	vm3 =	vmand @p1 vm4, vm3;
	v50 =	vsub.f32 v8, v27  }
0x11a: {  	v24 =	vsub.f32 v7, v47;
	v18 =	vpsel p1, v18, v0;
	v7 =	vsub.f32 v7, v51  }
0x11b: {  	v56 =	vsub.f32 v8, v54;
	vm1 =	vmand @p1 vm3, vm2;
	v52 =	vmin.f32 v48, v49  }
0x11c: {  	v53 =	vmax.f32 v48, v49;
	v12 =	vnsel @p1 vm1, $0x4CBEBC20, v12;
	v55 =	vadd.f32 v49, v50  }
0x11d: {  	v57 =	vadd.f32 v48, v7;
	v58 =	vmin.f32 v7, v50;
	v12 =	vpsel p1, v12, v0  }
0x11e: {  	v59 =	vmax.f32 v7, v50;
	v60 =	vand.u32 $0x7FFFFFFF, v24;
	vm1 =	vlt.f32 @p1 v12, v16  }
0x11f: {  	v8 =	vand.u32 $0x7FFFFFFF, v56;
	v12 =	vsel @p1 vm1, v12, v16;
	v13 =	vsel @p1 vm1, v19, v13  }
0x120: {  	v16 =	vsel @p1 vm1, v18, v17;
	v18 =	vmin.f32 v58, v52;
	v19 =	vmax.f32 v59, v53  }
0x121: {  	v11 =	vsel @p1 vm1, v11, v21;
	vm2 =	vgt.f32 v18, $0.0e+00;
	vm3 =	vgt.f32 v19, v6  }
0x122: {  	v6 =	vmax.f32 v60, v8;
	vm15 =	vle.f32 v19, v4;
	vm2 =	vmand vm2, vm3  }
0x123: {  	v4 =	vld [tilespmem:s21+$0x3500];
	vm3 =	vlt.f32 v6, v5;
	v5 =	vmul.f32 v55, v57;
	vm2 =	vmand vm15, vm2  }
0x124: {  	v8 =	vsel @p1 vm1, v9, v20;
	v6 =	vsel @p1 vm1, v10, v22;
	vm1 =	vmand vm2, vm3  }
.Ltmp12:
0x125: {  	v3 =	vpsel p1, v12, v3;
	v61 =	vpsel p1, v13, v1;
	v5 =	vnsel vm1, $0x4CBEBC20, v5;
	(pc) =	sbr.rel .LBB2_19-.Ltmp12, $4  }
0x126: {  	v2 =	vpsel p1, v16, v2;
	v62 =	vpsel p1, v11, v1;
	vm1 =	vlt.f32 v5, v3  }
0x127: {  	v8 =	vpsel p1, v8, v1;
	v6 =	vpsel p1, v6, v1;
	v63 =	vsel vm1, v5, v3  }
0x128: {  	v1 =	vsel vm1, v7, v61;
	v2 =	vsel vm1, v4, v2;
	v3 =	vsel vm1, v50, v62  }
0x129: {  	v4 =	vsel vm1, v48, v6;
	v5 =	vsel vm1, v49, v8;
	vm1 =	vlt.f32 v63, $1.000000000e+08  }
.LBB2_9:
0x12a: {  	vm1 =	vmmov vm0  }
0x12b: {  	v3 =	vimm.f32 $0.0e+00;
	v4 =	vimm.f32 $0.0e+00;
	v5 =	vimm.f32 $0.0e+00  }
.LBB2_19:
0x12c: {  	v6 =	vmin.f32 v1, v4  }
0x12d: {  	v7 =	vmax.f32 v1, v4;
	v8 =	vmin.f32 v3, v5;
	v9 =	vmax.f32 v3, v5  }
0x12e: {  	v6 =	vmul.f32 v8, v6;
	v7 =	vmul.f32 v9, v7;
	_ =	sdelay $0x1  }
0x12f: {  	v7 =	vadd.f32 $1.000000010e-10, v7;
	v8 =	vshra.s32 v6, $0x1;
	v62 =	vmul.f32 $5.000000000e-01, v6  }
0x130: {  	v8 =	vsub.s32 $0x5F3759DF, v8  }
0x131: {  	v10 =	vmul.f32 v8, v62;
	v11 =	vshra.s32 v7, $0x1;
	v7 =	vmul.f32 $5.000000000e-01, v7  }
0x132: {  	v11 =	vsub.s32 $0x5F3759DF, v11  }
0x133: {  	v10 =	vmul.f32 v8, v10;
	v12 =	vmul.f32 v11, v7;
	_ =	sdelay $0x1  }
0x134: {  	v10 =	vsub.f32 $1.500000000e+00, v10;
	v12 =	vmul.f32 v11, v12;
	_ =	sdelay $0x1  }
0x135: {  	v8 =	vmul.f32 v8, v10;
	v63 =	vsub.f32 $1.500000000e+00, v12;
	_ =	sdelay $0x1  }
0x136: {  	v10 =	vmul.f32 v11, v63;
	v9 =	vmul.f32 v8, v62;
	_ =	sdelay $0x1  }
0x137: {  	v9 =	vmul.f32 v9, v8;
	v7 =	vmul.f32 v10, v7;
	_ =	sdelay $0x1  }
0x138: {  	v9 =	vsub.f32 $1.500000000e+00, v9;
	v7 =	vmul.f32 v7, v10;
	_ =	sdelay $0x1  }
0x139: {  	v8 =	vmul.f32 v9, v8;
	v7 =	vsub.f32 $1.500000000e+00, v7;
	_ =	sdelay $0x1  }
0x13a: {  	v2 =	vnsel vm1, $0x0, v2;
	v6 =	vmul.f32 v8, v6;
	v7 =	vmul.f32 v7, v10  }
.Ltmp13:
0x13b: {  	v1 =	vnsel vm1, $0xBF800000, v1;
	[tilespmem:s20+$0x3E80] =	vst v2;
	(pc) =	sbr.rel .LBB2_20-.Ltmp13, $4  }
0x13c: {  	[tilespmem:s20+$0x4980] =	vst v1;
	v1 =	vnsel vm1, $0xBF800000, v3;
	v6 =	vmul.f32 v7, v6  }
0x13d: {  	[tilespmem:s20+$0x4F00] =	vst v1;
	v1 =	vnsel vm1, $0xBF800000, v4  }
0x13e: {  	[tilespmem:s20+$0x5480] =	vst v1;
	v6 =	vnsel vm1, $0xBF800000, v6  }
0x13f: {  	v1 =	vnsel vm1, $0xBF800000, v5;
	[tilespmem:s20+$0x4400] =	vst v6  }
.LBB2_11:
.Ltmp14:
0x140: {  	(pc) =	sbr.rel .LBB2_18-.Ltmp14, $3  }
0x141: {  	_ =	sdelay $0x1  }
0x142: {  	v16 =	vimm.f32 $2.000000000e+08;
	v17 =	vimm.f32 $0.0e+00;
	v18 =	vimm.s32 $0x0  }
0x143: {  	v21 =	vimm.f32 $0.0e+00;
	v22 =	vimm.f32 $0.0e+00;
	v20 =	vimm.f32 $0.0e+00  }
.LBB2_13:
.Ltmp15:
0x144: {  	(pc) =	sbr.rel .LBB2_18-.Ltmp15, $3  }
0x145: {  	_ =	sdelay $0x1  }
0x146: {  	v16 =	vimm.f32 $2.000000000e+08;
	v17 =	vimm.f32 $0.0e+00;
	v18 =	vimm.s32 $0x0  }
0x147: {  	v21 =	vimm.f32 $0.0e+00;
	v22 =	vimm.f32 $0.0e+00;
	v20 =	vimm.f32 $0.0e+00  }
.LBB2_15:
.Ltmp16:
0x148: {  	(pc) =	sbr.rel .LBB2_18-.Ltmp16, $4  }
0x149: {  	_ = 	snop  }
0x14a: {  	v16 =	vimm.f32 $2.000000000e+08;
	v17 =	vimm.f32 $0.0e+00  }
0x14b: {  	v18 =	vimm.s32 $0x0;
	v31 =	vmovc v11;
	v32 =	vmovc v10;
	v30 =	vmov v9;
	v21 =	vimm.f32 $0.0e+00  }
0x14c: {  	v22 =	vimm.f32 $0.0e+00;
	v20 =	vimm.f32 $0.0e+00;
	v10 =	vmovc v26;
	v9 =	vmovc v25;
	v11 =	vmov v27;
	s22 =	smov.u32 s21  }
.LBB2_22:
0x14d: {  	_ =	sfence.sel $0x180000  }
0x14e: {  	[bflag:$0x0] =	sbarrier.arrive $0xFFFF  }
0x14f: {  	p0 =	sne.s32 s0, $0x0;
	_ =	strace $0x90000047  }
0x150: {  	s0 =	sadd.s32 @!p0 $0x100000, s1;
	[bflag:$0x2] =	sbarrier.arrive $0xFFFF  }
0x151: {  	[sflag:s0] =	ssyncadd.tile.s32 @!p0 $0x1;
	_ =	shalt  }
.Lfunc_end2:
_tile_overlayer_lowered:
.L_overlay_start_2:
0x152: {  	(tag) =	ssettag $0x2  }
0x153: {  	s0 =	rddreg [dreg:$0x0];
	s2 =	stileid.u32  }
0x154: {  	s1 =	rddreg [dreg:$0x1];
	p0 =	sne.s32 s2, $0x0  }
0x155: {  	s3 =	rddreg [dreg:$0x2];
	[bflag:$0x3] =	sbarrier.arrive $0xFFFF;
	s2 =	simm.s32 @!p0 $0x1C01  }
0x156: {  	[timem:s3], [sflag:s2] =	dma.local @!p0 [hbm:s0], s1  }
0x157: {  	s0 =	simm.s32 @!p0 $0x1  }
0x158: {  	_ =	swait.ge @!p0 [sflag:s0], s1  }
0x159: {  	s1 =	ssub.s32 @!p0 $0x0, s1;
	[sflag:s0] =	ssyncset.done @!p0 $0x0  }
0x15a: {  	[sflag:s0] =	ssyncadd.s32 @!p0 s1  }
0x15b: {  	[bflag:$0x3] =	sbarrier.arrive $0xFFFF  }
0x15c: {  	_ =	shalt  }

</sc_bundles>
